<compile_context>
chip_gen: v7x
topology: tpu7x:2x2x1
jax: 0.10.2.dev20260603
libtpu: 0.0.44.dev20260713+nightly
codegen_flags: <defaults>
</compile_context>

<pallas_src>
import functools

import jax
import jax.numpy as jnp
from jax import lax
from jax.experimental import pallas as pl
from jax.experimental.pallas import tpu as pltpu
from jax.experimental.pallas import tpu_sc as plsc

_BS = 128
_ROW = 16


def _cross(ax, ay, az, bx, by, bz):
    return ay * bz - az * by, az * bx - ax * bz, ax * by - ay * bx


def _tc_body(gt_ref, nt_ref, w1a_ref, w2a_ref, out_ref):
    f32 = jnp.float32
    eps = 1e-07
    g = gt_ref[0]
    K = g.shape[1]
    BS = g.shape[2]
    gx, gy, gz = g[0], g[1], g[2]
    gnx, gny, gnz = g[3], g[4], g[5]
    c = nt_ref[0]
    cx, cy, cz = c[0:1, :], c[1:2, :], c[2:3, :]
    nx, ny, nz = c[3:4, :], c[4:5, :], c[5:6, :]

    def rb(x):
        return x.astype(jnp.bfloat16).astype(f32)

    lx, ly, lz = gx - cx, gy - cy, gz - cz
    bnx, bny, bnz = rb(nx), rb(ny), rb(nz)
    dp = rb(lx) * bnx + rb(ly) * bny + rb(lz) * bnz
    px, py, pz = lx - dp * nx, ly - dp * ny, lz - dp * nz
    plen = jnp.sqrt(px * px + py * py + pz * pz)
    ux, uy, uz = px / plen, py / plen, pz / plen
    ux = jnp.where(jnp.isnan(ux), 0.0, ux)
    uy = jnp.where(jnp.isnan(uy), 0.0, uy)
    uz = jnp.where(jnp.isnan(uz), 0.0, uz)
    ki = lax.broadcasted_iota(jnp.int32, (K, BS), 0)
    kif = ki.astype(f32)
    m = jnp.max(plen, axis=0, keepdims=True)
    first = jnp.min(jnp.where(plen == m, kif, float(K)), axis=0, keepdims=True)
    selm = kif == first
    vrx = jnp.sum(jnp.where(selm, ux, 0.0), axis=0, keepdims=True)
    vry = jnp.sum(jnp.where(selm, uy, 0.0), axis=0, keepdims=True)
    vrz = jnp.sum(jnp.where(selm, uz, 0.0), axis=0, keepdims=True)
    dots = rb(ux) * rb(vrx) + rb(uy) * rb(vry) + rb(uz) * rb(vrz)
    sx, sy, sz = _cross(ux, uy, uz, vrx, vry, vrz)
    t = rb(sx) * bnx + rb(sy) * bny + rb(sz) * bnz
    sg = jnp.sign(t)
    sg = jnp.where(ki == 0, 1.0, sg)
    d = sg * dots - (1.0 - sg)

    jio = lax.broadcasted_iota(jnp.int32, (K, K, BS), 0)
    iio = lax.broadcasted_iota(jnp.int32, (K, K, BS), 1)
    d_j = d[:, None, :]
    d_i = d[None, :, :]
    takes = (d_j > d_i) | ((d_j == d_i) & (jio < iio))
    rank = jnp.sum(takes.astype(jnp.int32), axis=0)

    perm = (rank[:, None, :] == iio).astype(f32)

    def permute(v):
        return jnp.sum(perm * v[:, None, :], axis=0)

    xix, xiy, xiz = permute(lx), permute(ly), permute(lz)
    xinx, xiny, xinz = permute(gnx), permute(gny), permute(gnz)

    x3x, x3y, x3z = (jnp.roll(v, 2, axis=0) for v in (xix, xiy, xiz))
    x3nx, x3ny, x3nz = (jnp.roll(v, 2, axis=0) for v in (xinx, xiny, xinz))
    x4x, x4y, x4z = (jnp.roll(v, -2, axis=0) for v in (xix, xiy, xiz))
    x4nx, x4ny, x4nz = (jnp.roll(v, -2, axis=0) for v in (xinx, xiny, xinz))

    l0 = jnp.sqrt(xix * xix + xiy * xiy + xiz * xiz)
    i0 = 1.0 / (l0 + eps)
    u0x, u0y, u0z = -xix * i0, -xiy * i0, -xiz * i0
    s10 = -(u0x * nx + u0y * ny + u0z * nz)
    s20 = u0x * xinx + u0y * xiny + u0z * xinz

    l1 = jnp.sqrt(x3x * x3x + x3y * x3y + x3z * x3z)
    i1 = 1.0 / (l1 + eps)
    u1x, u1y, u1z = -x3x * i1, -x3y * i1, -x3z * i1
    s11 = -(u1x * nx + u1y * ny + u1z * nz)
    s21 = u1x * x3nx + u1y * x3ny + u1z * x3nz

    o2x, o2y, o2z = xix - x3x, xiy - x3y, xiz - x3z
    l2 = jnp.sqrt(o2x * o2x + o2y * o2y + o2z * o2z)
    i2 = 1.0 / (l2 + eps)
    u2x, u2y, u2z = o2x * i2, o2y * i2, o2z * i2
    s12 = -(u2x * xinx + u2y * xiny + u2z * xinz)
    s22 = u2x * x3nx + u2y * x3ny + u2z * x3nz

    angle_0 = u0x * u1x + u0y * u1y + u0z * u1z
    angle_1 = u1x * u2x + u1y * u2y + u1z * u2z

    l4 = jnp.sqrt(x4x * x4x + x4y * x4y + x4z * x4z)
    i4 = 1.0 / (l4 + eps)
    u4x, u4y, u4z = x4x * i4, x4y * i4, x4z * i4
    o5x, o5y, o5z = x4x - xix, x4y - xiy, x4z - xiz
    l5 = jnp.sqrt(o5x * o5x + o5y * o5y + o5z * o5z)
    i5 = 1.0 / (l5 + eps)
    u5x, u5y, u5z = o5x * i5, o5y * i5, o5z * i5
    c40x, c40y, c40z = _cross(u4x, u4y, u4z, u0x, u0y, u0z)
    c10x, c10y, c10z = _cross(u1x, u1y, u1z, u0x, u0y, u0z)
    a11 = -(u4x * u0x + u4y * u0y + u4z * u0z)
    a12 = u4x * u5x + u4y * u5y + u4z * u5z
    a21 = u5x * x4nx + u5y * x4ny + u5z * x4nz
    a22 = -(u0x * x4nx + u0y * x4ny + u0z * x4nz)
    a3 = -(c40x * c10x + c40y * c10y + c40z * c10z)

    ones = jnp.ones((K, BS), f32)
    F = jnp.stack([l0, s10, s20, angle_0, s11, s21, angle_1, s12, s22,
                   a11, a12, a21, a22, a3, ones], axis=0)
    F = F.reshape(15, K * BS)

    bf16 = jnp.bfloat16
    h1 = jnp.maximum(
        jnp.dot(w1a_ref[...].astype(bf16), F.astype(bf16),
                preferred_element_type=f32), 0.0)
    h1 = jnp.concatenate([h1, jnp.ones((1, K * BS), f32)], axis=0)
    h2 = jnp.maximum(
        jnp.dot(w2a_ref[...].astype(bf16), h1.astype(bf16),
                preferred_element_type=f32), 0.0)

    acc = h2[:, 0:BS]
    for k in range(1, K):
        acc = jnp.maximum(acc, h2[:, k * BS:(k + 1) * BS])
    out_ref[0] = acc


def _sc_gather(table, idx3, total_rows):
    nw, ch, _ = idx3.shape
    mesh = plsc.VectorSubcoreMesh(core_axis_name="c", subcore_axis_name="s")
    info = plsc.get_sparse_core_info()
    nc = info.num_cores

    @functools.partial(
        pl.kernel, mesh=mesh,
        compiler_params=pltpu.CompilerParams(use_tc_tiling_on_sc=False),
        out_type=jax.ShapeDtypeStruct((nw * ch * 128, _ROW), jnp.float32),
        scratch_types=[
            pltpu.VMEM((ch, 128), jnp.int32),
            pltpu.VMEM((2, 128, _ROW), jnp.float32),
            pltpu.SemaphoreType.DMA((2,)),
        ],
    )
    def run(table_hbm, idx_hbm, out_hbm, idx_v, rows_v, sem):
        wid = lax.axis_index("s") * nc + lax.axis_index("c")
        pltpu.sync_copy(idx_hbm.at[wid], idx_v)
        pltpu.async_copy(table_hbm.at[idx_v.at[0]], rows_v.at[0], sem.at[0])

        def body(i, carry):
            nxt = i + 1
            slot = lax.rem(i, 2)
            nslot = lax.rem(nxt, 2)

            @pl.when(nxt < ch)
            def _():
                pltpu.async_copy(
                    table_hbm.at[idx_v.at[nxt]], rows_v.at[nslot],
                    sem.at[nslot])

            pltpu.make_async_copy(
                table_hbm.at[idx_v.at[i]], rows_v.at[slot],
                sem.at[slot]).wait()
            pltpu.sync_copy(
                rows_v.at[slot], out_hbm.at[pl.ds((wid * ch + i) * 128, 128)])
            return carry

        lax.fori_loop(0, ch, body, 0)

    return run(table, idx3)


def kernel(xyz, norm, fps_idx, knn_idx, W1, b1, W2, b2):
    f32 = jnp.float32
    B, N, _ = xyz.shape
    S = fps_idx.shape[1]
    K = knn_idx.shape[2]

    table = jnp.concatenate(
        [xyz.astype(f32), norm.astype(f32),
         jnp.zeros((B, N, _ROW - 6), f32)], axis=-1).reshape(B * N, _ROW)
    boff = jnp.arange(B, dtype=jnp.int32) * N
    knn_f = (jnp.transpose(knn_idx.astype(jnp.int32), (0, 2, 1))
             + boff[:, None, None]).reshape(-1)
    fps_f = (fps_idx.astype(jnp.int32) + boff[:, None]).reshape(-1)
    idx_all = jnp.concatenate([knn_f, fps_f])
    total = idx_all.shape[0]

    info = plsc.get_sparse_core_info()
    nw = info.num_cores * info.num_subcores
    per = -(-total // (nw * 128)) * 128
    pad = nw * per - total
    if pad:
        idx_all = jnp.concatenate(
            [idx_all, jnp.zeros((pad,), jnp.int32)])
    rows = _sc_gather(table, idx_all.reshape(nw, per // 128, 128), total)

    g = rows[:B * K * S].reshape(B, K, S, _ROW)
    nf = rows[B * K * S:total].reshape(B, S, _ROW)
    gt = jnp.transpose(g, (0, 3, 1, 2))
    nt = jnp.transpose(nf, (0, 2, 1))
    w1a = jnp.concatenate([W1.T.astype(f32), b1.astype(f32)[:, None]], axis=1)
    w2a = jnp.concatenate([W2.T.astype(f32), b2.astype(f32)[:, None]], axis=1)

    tc_out = pl.pallas_call(
        _tc_body,
        grid=(B, S // _BS),
        in_specs=[
            pl.BlockSpec((1, _ROW, K, _BS), lambda b, s: (b, 0, 0, s)),
            pl.BlockSpec((1, _ROW, _BS), lambda b, s: (b, 0, s)),
            pl.BlockSpec((32, 15), lambda b, s: (0, 0)),
            pl.BlockSpec((64, 33), lambda b, s: (0, 0)),
        ],
        out_specs=pl.BlockSpec((1, 64, _BS), lambda b, s: (b, 0, s)),
        out_shape=jax.ShapeDtypeStruct((B, 64, S), f32),
        compiler_params=pltpu.CompilerParams(
            dimension_semantics=("parallel", "parallel")),
    )(gt, nt, w1a, w2a)

    new_xyz = nf[:, :, 0:3]
    new_norm = nf[:, :, 3:6]
    new_points = jnp.transpose(tc_out, (0, 2, 1))
    return new_xyz, new_norm, new_points

# --- scband reference (transcript-rebuilt; emitter-appended) ---
"""Pipeline reference for scband-mvctnet-set-abstraction-8211977470434 (READ-ONLY COPY).

The authoritative reference and input builder live on the scoring server;
editing this copy changes nothing except your own understanding.
"""

import jax, jax.numpy as jnp
import numpy as np


def index_points(points, idx):
    # points: [B, N, C]; idx: [B, ...] -> [B, ..., C]
    return jax.vmap(lambda p, i: p[i])(points, idx)


def calculate_surface_norm(a, b):
    nx = a[..., 1] * b[..., 2] - a[..., 2] * b[..., 1]
    ny = a[..., 2] * b[..., 0] - a[..., 0] * b[..., 2]
    nz = a[..., 0] * b[..., 1] - a[..., 1] * b[..., 0]
    return jnp.stack([nx, ny, nz], axis=-1)


def calculate_unit(new_xi, x1):
    eps = 1e-07
    off = new_xi - x1
    length = jnp.linalg.norm(off, axis=-1, keepdims=True)
    u = off / (length + eps)
    return jnp.where(jnp.isnan(u), 0.0, u)


def calculate_new_surface_feature(new_xi, new_xi_norm, x1, x1_norm, x2, x2_norm, x3, x3_norm):
    pxi_u = calculate_unit(new_xi, x1)
    px2_u = calculate_unit(x2, x1)
    x2xi_u = calculate_unit(new_xi, x2)
    px3_u = calculate_unit(x3, x1)
    sn1 = calculate_surface_norm(pxi_u, px2_u)
    sn2 = calculate_surface_norm(px3_u, px2_u)
    a11 = (pxi_u * px2_u).sum(-1, keepdims=True)
    a12 = (pxi_u * x2xi_u).sum(-1, keepdims=True)
    a3 = (sn1 * sn2).sum(-1, keepdims=True)
    a21 = (x2xi_u * new_xi_norm).sum(-1, keepdims=True)
    a22 = (px2_u * new_xi_norm).sum(-1, keepdims=True)
    return jnp.concatenate([a11, a12, a21, a22, a3], axis=-1)


def calculate_two_surface_feature(x1, x1_norm, x2, x2_norm):
    eps = 1e-07
    off = x1 - x2
    length = jnp.linalg.norm(off, axis=-1, keepdims=True)
    u = off / (length + eps)
    u = jnp.where(jnp.isnan(u), 0.0, u)
    s1 = -(u * x1_norm).sum(-1, keepdims=True)
    s2 = (u * x2_norm).sum(-1, keepdims=True)
    return s1, s2, length


def order_index(xyz, new_xyz, new_norm, idx):
    # new_norm: [B, S, 3, 1]
    B, S, C = new_xyz.shape
    K = idx.shape[2]
    grouped = index_points(xyz, idx)                     # [B,S,K,3]
    local = grouped - new_xyz[:, :, None, :]
    dist_plane = jnp.matmul(local, new_norm)             # [B,S,K,1]
    proj = local - dist_plane * jnp.reshape(new_norm, (B, S, 1, C))
    plen = jnp.linalg.norm(proj, axis=-1, keepdims=True)
    unit = proj / plen
    unit = jnp.where(jnp.isnan(unit), 0.0, unit)
    lmax = jnp.argmax(plen, axis=2)                      # [B,S,1]
    gidx = jnp.broadcast_to(lmax[..., None], (B, S, 1, C))
    vec_ref = jnp.take_along_axis(unit, gidx, axis=2)    # [B,S,1,3]
    dots = jnp.matmul(unit, jnp.reshape(vec_ref, (B, S, C, 1)))  # [B,S,K,1]
    sign = jnp.cross(unit, jnp.broadcast_to(jnp.reshape(vec_ref, (B, S, 1, C)), (B, S, K, C)))
    sign = jnp.matmul(sign, new_norm)                    # [B,S,K,1]
    sign = jnp.sign(sign)
    sign = sign.at[:, :, 0, 0].set(1.0)
    dots = sign * dots - (1 - sign)
    d = jnp.squeeze(dots, -1)                            # [B,S,K]
    order = jnp.argsort(-d, axis=2)
    dots_sorted = jnp.take_along_axis(d, order, axis=2)[..., None]
    idx_ordered = jnp.take_along_axis(idx, order, axis=2)
    return dots_sorted, idx_ordered


def RISP_features(xyz, norm, new_xyz, new_norm, idx, group_all=False):
    B, N, C = new_xyz.shape
    K = idx.shape[-1]
    dots_sorted, idx_ordered = order_index(xyz, new_xyz, new_norm[..., None], idx)
    grouped_center = index_points(xyz, idx_ordered)
    xi_norm = index_points(norm, idx_ordered)
    if not group_all:
        xi = grouped_center - new_xyz[:, :, None, :]
    else:
        xi = grouped_center
    p_point = jnp.zeros_like(xi)
    p_norm = jnp.broadcast_to(new_norm[:, :, None, :], xi.shape)
    num_shifts = 2 if N >= 1024 else 1
    x3 = jnp.roll(xi, num_shifts, axis=2)
    x3_norm = jnp.roll(xi_norm, num_shifts, axis=2)
    s10, s20, l0 = calculate_two_surface_feature(p_point, p_norm, xi, xi_norm)
    s11, s21, l1 = calculate_two_surface_feature(p_point, p_norm, x3, x3_norm)
    s12, s22, l2 = calculate_two_surface_feature(xi, xi_norm, x3, x3_norm)
    angle_0 = (calculate_unit(p_point, xi) * calculate_unit(p_point, x3)).sum(-1, keepdims=True)
    angle_1 = (calculate_unit(x3, p_point) * calculate_unit(x3, xi)).sum(-1, keepdims=True)
    ri_feat = jnp.concatenate([l0, s10, s20, angle_0, s11, s21, angle_1, s12, s22], axis=-1)
    x4 = jnp.roll(xi, -num_shifts, axis=2)
    x4_norm = jnp.roll(xi_norm, -num_shifts, axis=2)
    new_feature = calculate_new_surface_feature(x4, x4_norm, p_point, p_norm, xi, xi_norm, x3, x3_norm)
    ri_feat = jnp.concatenate([ri_feat, new_feature], axis=-1)  # [B,S,K,14]
    return ri_feat, idx_ordered


def setup_inputs(seed: int = 0) -> dict:
    key = jax.random.key(seed)
    k1, k2, k3, k4, k5, k6 = jax.random.split(key, 6)
    B, N, S, K = 4, 32768, 4096, 32
    xyz = jax.random.normal(k1, (B, N, 3), dtype=jnp.float32)
    nrm = jax.random.normal(k2, (B, N, 3), dtype=jnp.float32)
    nrm = nrm / jnp.linalg.norm(nrm, axis=-1, keepdims=True)
    fps_idx = jax.random.randint(k3, (B, S), 0, N)
    knn_idx = jax.random.randint(k4, (B, S, K), 0, N)
    W1 = jax.random.normal(k5, (14, 32), dtype=jnp.float32) * 0.1
    b1 = jnp.zeros((32,), dtype=jnp.float32)
    W2 = jax.random.normal(k6, (32, 64), dtype=jnp.float32) * 0.1
    b2 = jnp.zeros((64,), dtype=jnp.float32)
    return {"xyz": xyz, "norm": nrm, "fps_idx": fps_idx, "knn_idx": knn_idx,
            "W1": W1, "b1": b1, "W2": W2, "b2": b2}


def reference(xyz, norm, fps_idx, knn_idx, W1, b1, W2, b2):
    # Set abstraction: sample centres, compute 14-dim RISP features over the
    # angularly ordered neighbourhood, run shared MLP, max-pool over neighbours.
    new_xyz = index_points(xyz, fps_idx)    # [B,S,3]
    new_norm = index_points(norm, fps_idx)  # [B,S,3]
    ri_feat, idx_ordered = RISP_features(xyz, norm, new_xyz, new_norm, knn_idx, group_all=False)
    h = jax.nn.relu(jnp.matmul(ri_feat, W1) + b1)
    h = jax.nn.relu(jnp.matmul(h, W2) + b2)
    new_points = jnp.max(h, axis=2)         # [B,S,64]
    return new_xyz, new_norm, new_points

if __name__ == "__main__":
    import jax
    _d = setup_inputs()
    print(jax.jit(kernel)(*tuple(_d.values())))

</pallas_src>

<mosaic_0001>
#map = affine_map<(d0, d1) -> (0, 0)>
#map1 = affine_map<(d0, d1) -> (0, 0, 0)>
module attributes {stable_mosaic.version = 14 : i64} {
  func.func @run(%arg0: i32, %arg1: i32, %arg2: memref<131072x16xf32, #tpu.memory_space<hbm>>, %arg3: memref<32x132x128xi32, #tpu.memory_space<hbm>>, %arg4: memref<540672x16xf32, #tpu.memory_space<hbm>>, %arg5: memref<132x128xi32, #tpu.memory_space<vmem>>, %arg6: memref<2x128x16xf32, #tpu.memory_space<vmem>>, %arg7: memref<2x!tpu.dma_semaphore, #tpu.memory_space<semaphore_mem>>) attributes {dimension_semantics = [#tpu.dimension_semantics<core_parallel>, #tpu.dimension_semantics<subcore_parallel>], iteration_bounds = array<i64: 2, 16>, scalar_prefetch = 0 : i64, scratch_operands = 3 : i64, tpu.core_type = #tpu.core_type<sc_vector_subcore>, window_params = [{transform_indices = #map}, {transform_indices = #map1}, {transform_indices = #map}]} {
    %mul3A = arith.constant 2 : i32
    %mul3A_0 = arith.muli %arg1, %mul3A : i32
    %add3A = arith.addi %mul3A_0, %arg0 : i32
    "tpu.region"() ({
      %run_scoped3A = tpu.sem_alloc : memref<!tpu.dma_semaphore, #tpu.memory_space<semaphore_mem>>
      %dma_start3A_20 = arith.constant 0 : i32
      %dma_start3A_21 = arith.constant 0 : i32
      %dma_start3A_22 = tpu.memref_slice %arg3[%add3A, %dma_start3A_20, %dma_start3A_21] : memref<32x132x128xi32, #tpu.memory_space<hbm>> -> memref<1x132x128xi32, #tpu.memory_space<hbm>>
      %dma_start3A_23 = tpu.memref_squeeze %dma_start3A_22 : memref<1x132x128xi32, #tpu.memory_space<hbm>> -> memref<132x128xi32, #tpu.memory_space<hbm>>
      %dma_start3A_24 = arith.constant 0 : i32
      %dma_start3A_25 = arith.constant 0 : i32
      %dma_start3A_26 = tpu.memref_slice %arg3[%add3A, %dma_start3A_24, %dma_start3A_25] : memref<32x132x128xi32, #tpu.memory_space<hbm>> -> memref<1x132x128xi32, #tpu.memory_space<hbm>>
      %dma_start3A_27 = tpu.memref_squeeze %dma_start3A_26 : memref<1x132x128xi32, #tpu.memory_space<hbm>> -> memref<132x128xi32, #tpu.memory_space<hbm>>
      tpu.enqueue_dma source(%dma_start3A_27 : memref<132x128xi32, #tpu.memory_space<hbm>>) target(%arg5 : memref<132x128xi32, #tpu.memory_space<vmem>>) target_semaphore(%run_scoped3A : memref<!tpu.dma_semaphore, #tpu.memory_space<semaphore_mem>>)
      %dma_wait3A = arith.constant 0 : i32
      %dma_wait3A_28 = arith.constant 0 : i32
      %dma_wait3A_29 = tpu.memref_slice %arg3[%add3A, %dma_wait3A, %dma_wait3A_28] : memref<32x132x128xi32, #tpu.memory_space<hbm>> -> memref<1x132x128xi32, #tpu.memory_space<hbm>>
      %dma_wait3A_30 = tpu.memref_squeeze %dma_wait3A_29 : memref<1x132x128xi32, #tpu.memory_space<hbm>> -> memref<132x128xi32, #tpu.memory_space<hbm>>
      %dma_wait3A_31 = arith.constant 0 : i32
      %dma_wait3A_32 = arith.constant 0 : i32
      %dma_wait3A_33 = tpu.memref_slice %arg3[%add3A, %dma_wait3A_31, %dma_wait3A_32] : memref<32x132x128xi32, #tpu.memory_space<hbm>> -> memref<1x132x128xi32, #tpu.memory_space<hbm>>
      %dma_wait3A_34 = tpu.memref_squeeze %dma_wait3A_33 : memref<1x132x128xi32, #tpu.memory_space<hbm>> -> memref<132x128xi32, #tpu.memory_space<hbm>>
      tpu.wait_dma2 semaphore(%run_scoped3A : memref<!tpu.dma_semaphore, #tpu.memory_space<semaphore_mem>>) src(%dma_wait3A_34 : memref<132x128xi32, #tpu.memory_space<hbm>>) dst(%arg5 : memref<132x128xi32, #tpu.memory_space<vmem>>)
      tpu.yield
    }) : () -> ()
    %dma_start3A = arith.constant 0 : i32
    %dma_start3A_1 = arith.constant 0 : i32
    %dma_start3A_2 = arith.constant 0 : i32
    %dma_start3A_3 = arith.constant 0 : i32
    %dma_start3A_4 = arith.constant 0 : i32
    %dma_start3A_5 = tpu.memref_slice %arg6[%dma_start3A_1, %dma_start3A_3, %dma_start3A_4] : memref<2x128x16xf32, #tpu.memory_space<vmem>> -> memref<1x128x16xf32, #tpu.memory_space<vmem>>
    %dma_start3A_6 = tpu.memref_squeeze %dma_start3A_5 : memref<1x128x16xf32, #tpu.memory_space<vmem>> -> memref<128x16xf32, #tpu.memory_space<vmem>>
    %dma_start3A_7 = arith.constant 0 : i32
    %dma_start3A_8 = tpu.memref_slice %arg5[%dma_start3A, %dma_start3A_7] : memref<132x128xi32, #tpu.memory_space<vmem>> -> memref<1x128xi32, #tpu.memory_space<vmem>>
    %dma_start3A_9 = tpu.memref_squeeze %dma_start3A_8 : memref<1x128xi32, #tpu.memory_space<vmem>> -> memref<128xi32, #tpu.memory_space<vmem>>
    %dma_start3A_10 = arith.constant 0 : i32
    %dma_start3A_11 = arith.constant 0 : i32
    %dma_start3A_12 = tpu.memref_slice %arg2[%dma_start3A_10, %dma_start3A_11] : memref<131072x16xf32, #tpu.memory_space<hbm>> -> memref<131072x16xf32, #tpu.memory_space<hbm>>
    %dma_start3A_13 = tpu.memref_slice %arg7[%dma_start3A_2] : memref<2x!tpu.dma_semaphore, #tpu.memory_space<semaphore_mem>> -> memref<1x!tpu.dma_semaphore, #tpu.memory_space<semaphore_mem>>
    %dma_start3A_14 = tpu.memref_squeeze %dma_start3A_13 : memref<1x!tpu.dma_semaphore, #tpu.memory_space<semaphore_mem>> -> memref<!tpu.dma_semaphore, #tpu.memory_space<semaphore_mem>>
    tpu.enqueue_indirect_dma source(%dma_start3A_12 : memref<131072x16xf32, #tpu.memory_space<hbm>>) target(%dma_start3A_6 : memref<128x16xf32, #tpu.memory_space<vmem>>) offsets(%dma_start3A_9 : memref<128xi32, #tpu.memory_space<vmem>>) semaphore(%dma_start3A_14 : memref<!tpu.dma_semaphore, #tpu.memory_space<semaphore_mem>>)
    %scan3A = arith.constant 0 : i32
    %scan3A_15 = arith.constant 0 : i32
    %scan3A_16 = arith.constant 132 : i32
    %scan3A_17 = arith.addi %scan3A_15, %scan3A_16 : i32
    %scan3A_18 = arith.constant 1 : i32
    scf.for %scan3A_20 = %scan3A_15 to %scan3A_17 step %scan3A_18  : i32 {
      %add3A_21 = arith.constant 1 : i32
      %add3A_22 = arith.addi %scan3A_20, %add3A_21 : i32
      %rem3A = arith.constant 2 : i32
      %rem3A_23 = arith.remsi %scan3A_20, %rem3A : i32
      %rem3A_24 = arith.constant 2 : i32
      %rem3A_25 = arith.remsi %add3A_22, %rem3A_24 : i32
      %lt3A = arith.constant 132 : i32
      %lt3A_26 = arith.cmpi slt, %add3A_22, %lt3A : i32
      %convert_element_type3A = arith.extui %lt3A_26 : i1 to i32
      %cond3A = arith.constant 0 : i32
      %cond3A_27 = arith.cmpi ne, %convert_element_type3A, %cond3A : i32
      scf.if %cond3A_27 {
        %dma_start3A_44 = arith.constant 0 : i32
        %dma_start3A_45 = arith.constant 0 : i32
        %dma_start3A_46 = tpu.memref_slice %arg6[%rem3A_25, %dma_start3A_44, %dma_start3A_45] : memref<2x128x16xf32, #tpu.memory_space<vmem>> -> memref<1x128x16xf32, #tpu.memory_space<vmem>>
        %dma_start3A_47 = tpu.memref_squeeze %dma_start3A_46 : memref<1x128x16xf32, #tpu.memory_space<vmem>> -> memref<128x16xf32, #tpu.memory_space<vmem>>
        %dma_start3A_48 = arith.constant 0 : i32
        %dma_start3A_49 = tpu.memref_slice %arg5[%add3A_22, %dma_start3A_48] : memref<132x128xi32, #tpu.memory_space<vmem>> -> memref<1x128xi32, #tpu.memory_space<vmem>>
        %dma_start3A_50 = tpu.memref_squeeze %dma_start3A_49 : memref<1x128xi32, #tpu.memory_space<vmem>> -> memref<128xi32, #tpu.memory_space<vmem>>
        %dma_start3A_51 = arith.constant 0 : i32
        %dma_start3A_52 = arith.constant 0 : i32
        %dma_start3A_53 = tpu.memref_slice %arg2[%dma_start3A_51, %dma_start3A_52] : memref<131072x16xf32, #tpu.memory_space<hbm>> -> memref<131072x16xf32, #tpu.memory_space<hbm>>
        %dma_start3A_54 = tpu.memref_slice %arg7[%rem3A_25] : memref<2x!tpu.dma_semaphore, #tpu.memory_space<semaphore_mem>> -> memref<1x!tpu.dma_semaphore, #tpu.memory_space<semaphore_mem>>
        %dma_start3A_55 = tpu.memref_squeeze %dma_start3A_54 : memref<1x!tpu.dma_semaphore, #tpu.memory_space<semaphore_mem>> -> memref<!tpu.dma_semaphore, #tpu.memory_space<semaphore_mem>>
        tpu.enqueue_indirect_dma source(%dma_start3A_53 : memref<131072x16xf32, #tpu.memory_space<hbm>>) target(%dma_start3A_47 : memref<128x16xf32, #tpu.memory_space<vmem>>) offsets(%dma_start3A_50 : memref<128xi32, #tpu.memory_space<vmem>>) semaphore(%dma_start3A_55 : memref<!tpu.dma_semaphore, #tpu.memory_space<semaphore_mem>>)
      } else {
      }
      %dma_wait3A = arith.constant 0 : i32
      %dma_wait3A_28 = arith.constant 0 : i32
      %dma_wait3A_29 = tpu.memref_slice %arg6[%rem3A_23, %dma_wait3A, %dma_wait3A_28] : memref<2x128x16xf32, #tpu.memory_space<vmem>> -> memref<1x128x16xf32, #tpu.memory_space<vmem>>
      %dma_wait3A_30 = tpu.memref_squeeze %dma_wait3A_29 : memref<1x128x16xf32, #tpu.memory_space<vmem>> -> memref<128x16xf32, #tpu.memory_space<vmem>>
      %dma_wait3A_31 = arith.constant 0 : i32
      %dma_wait3A_32 = tpu.memref_slice %arg5[%scan3A_20, %dma_wait3A_31] : memref<132x128xi32, #tpu.memory_space<vmem>> -> memref<1x128xi32, #tpu.memory_space<vmem>>
      %dma_wait3A_33 = tpu.memref_squeeze %dma_wait3A_32 : memref<1x128xi32, #tpu.memory_space<vmem>> -> memref<128xi32, #tpu.memory_space<vmem>>
      %dma_wait3A_34 = arith.constant 0 : i32
      %dma_wait3A_35 = arith.constant 0 : i32
      %dma_wait3A_36 = tpu.memref_slice %arg2[%dma_wait3A_34, %dma_wait3A_35] : memref<131072x16xf32, #tpu.memory_space<hbm>> -> memref<131072x16xf32, #tpu.memory_space<hbm>>
      %dma_wait3A_37 = tpu.memref_slice %arg7[%rem3A_23] : memref<2x!tpu.dma_semaphore, #tpu.memory_space<semaphore_mem>> -> memref<1x!tpu.dma_semaphore, #tpu.memory_space<semaphore_mem>>
      %dma_wait3A_38 = tpu.memref_squeeze %dma_wait3A_37 : memref<1x!tpu.dma_semaphore, #tpu.memory_space<semaphore_mem>> -> memref<!tpu.dma_semaphore, #tpu.memory_space<semaphore_mem>>
      tpu.wait_indirect_dma semaphore(%dma_wait3A_38 : memref<!tpu.dma_semaphore, #tpu.memory_space<semaphore_mem>>) src(%dma_wait3A_36 : memref<131072x16xf32, #tpu.memory_space<hbm>>) dst(%dma_wait3A_30 : memref<128x16xf32, #tpu.memory_space<vmem>>)
      %mul3A_39 = arith.constant 132 : i32
      %mul3A_40 = arith.muli %add3A, %mul3A_39 : i32
      %add3A_41 = arith.addi %mul3A_40, %scan3A_20 : i32
      %mul3A_42 = arith.constant 128 : i32
      %mul3A_43 = arith.muli %add3A_41, %mul3A_42 : i32
      "tpu.region"() ({
        %run_scoped3A = tpu.sem_alloc : memref<!tpu.dma_semaphore, #tpu.memory_space<semaphore_mem>>
        %dma_start3A_44 = arith.constant 0 : i32
        %dma_start3A_45 = arith.constant 0 : i32
        %dma_start3A_46 = tpu.memref_slice %arg6[%rem3A_23, %dma_start3A_44, %dma_start3A_45] : memref<2x128x16xf32, #tpu.memory_space<vmem>> -> memref<1x128x16xf32, #tpu.memory_space<vmem>>
        %dma_start3A_47 = tpu.memref_squeeze %dma_start3A_46 : memref<1x128x16xf32, #tpu.memory_space<vmem>> -> memref<128x16xf32, #tpu.memory_space<vmem>>
        %dma_start3A_48 = arith.constant 0 : i32
        %dma_start3A_49 = tpu.memref_slice %arg4[%mul3A_43, %dma_start3A_48] : memref<540672x16xf32, #tpu.memory_space<hbm>> -> memref<128x16xf32, #tpu.memory_space<hbm>>
        %dma_start3A_50 = arith.constant 0 : i32
        %dma_start3A_51 = tpu.memref_slice %arg4[%mul3A_43, %dma_start3A_50] : memref<540672x16xf32, #tpu.memory_space<hbm>> -> memref<128x16xf32, #tpu.memory_space<hbm>>
        %dma_start3A_52 = arith.constant 0 : i32
        %dma_start3A_53 = arith.constant 0 : i32
        %dma_start3A_54 = tpu.memref_slice %arg6[%rem3A_23, %dma_start3A_52, %dma_start3A_53] : memref<2x128x16xf32, #tpu.memory_space<vmem>> -> memref<1x128x16xf32, #tpu.memory_space<vmem>>
        %dma_start3A_55 = tpu.memref_squeeze %dma_start3A_54 : memref<1x128x16xf32, #tpu.memory_space<vmem>> -> memref<128x16xf32, #tpu.memory_space<vmem>>
        tpu.enqueue_dma source(%dma_start3A_55 : memref<128x16xf32, #tpu.memory_space<vmem>>) target(%dma_start3A_51 : memref<128x16xf32, #tpu.memory_space<hbm>>) target_semaphore(%run_scoped3A : memref<!tpu.dma_semaphore, #tpu.memory_space<semaphore_mem>>)
        %dma_wait3A_56 = arith.constant 0 : i32
        %dma_wait3A_57 = arith.constant 0 : i32
        %dma_wait3A_58 = tpu.memref_slice %arg6[%rem3A_23, %dma_wait3A_56, %dma_wait3A_57] : memref<2x128x16xf32, #tpu.memory_space<vmem>> -> memref<1x128x16xf32, #tpu.memory_space<vmem>>
        %dma_wait3A_59 = tpu.memref_squeeze %dma_wait3A_58 : memref<1x128x16xf32, #tpu.memory_space<vmem>> -> memref<128x16xf32, #tpu.memory_space<vmem>>
        %dma_wait3A_60 = arith.constant 0 : i32
        %dma_wait3A_61 = tpu.memref_slice %arg4[%mul3A_43, %dma_wait3A_60] : memref<540672x16xf32, #tpu.memory_space<hbm>> -> memref<128x16xf32, #tpu.memory_space<hbm>>
        %dma_wait3A_62 = arith.constant 0 : i32
        %dma_wait3A_63 = tpu.memref_slice %arg4[%mul3A_43, %dma_wait3A_62] : memref<540672x16xf32, #tpu.memory_space<hbm>> -> memref<128x16xf32, #tpu.memory_space<hbm>>
        %dma_wait3A_64 = arith.constant 0 : i32
        %dma_wait3A_65 = arith.constant 0 : i32
        %dma_wait3A_66 = tpu.memref_slice %arg6[%rem3A_23, %dma_wait3A_64, %dma_wait3A_65] : memref<2x128x16xf32, #tpu.memory_space<vmem>> -> memref<1x128x16xf32, #tpu.memory_space<vmem>>
        %dma_wait3A_67 = tpu.memref_squeeze %dma_wait3A_66 : memref<1x128x16xf32, #tpu.memory_space<vmem>> -> memref<128x16xf32, #tpu.memory_space<vmem>>
        tpu.wait_dma2 semaphore(%run_scoped3A : memref<!tpu.dma_semaphore, #tpu.memory_space<semaphore_mem>>) src(%dma_wait3A_67 : memref<128x16xf32, #tpu.memory_space<vmem>>) dst(%dma_wait3A_63 : memref<128x16xf32, #tpu.memory_space<hbm>>)
        tpu.yield
      }) : () -> ()
    }
    %scan3A_19 = arith.constant 132 : i32
    return
  }
}

module attributes {stable_mosaic.version = 14 : i64} {
  func.func @_tc_body(%arg0: i32, %arg1: i32, %arg2: memref<1x16x32x128xf32, #tpu.memory_space<vmem>>, %arg3: memref<1x16x128xf32, #tpu.memory_space<vmem>>, %arg4: memref<32x15xf32, #tpu.memory_space<vmem>>, %arg5: memref<64x33xf32, #tpu.memory_space<vmem>>, %arg6: memref<1x64x128xf32, #tpu.memory_space<vmem>>) attributes {dimension_semantics = [#tpu.dimension_semantics<parallel>, #tpu.dimension_semantics<parallel>], iteration_bounds = array<i64: 4, 32>, scalar_prefetch = 0 : i64, scratch_operands = 0 : i64, tpu.core_type = #tpu.core_type<tc>, window_params = [{transform_indices = @transform_0, window_bounds = array<i64: 1, 16, 32, 128>}, {transform_indices = @transform_1, window_bounds = array<i64: 1, 16, 128>}, {pipeline_mode = #tpu.pipeline_mode<synchronous>, transform_indices = @transform_2, window_bounds = array<i64: 32, 15>}, {pipeline_mode = #tpu.pipeline_mode<synchronous>, transform_indices = @transform_3, window_bounds = array<i64: 64, 33>}, {transform_indices = @transform_4, window_bounds = array<i64: 1, 64, 128>}]} {
    %get3A = arith.constant 0 : index
    %get3A_0 = arith.constant 0 : index
    %get3A_1 = arith.constant 0 : index
    %get3A_2 = arith.constant 0 : index
    %get3A_3 = vector.load %arg2[%get3A, %get3A_0, %get3A_1, %get3A_2] : memref<1x16x32x128xf32, #tpu.memory_space<vmem>>, vector<1x16x32x128xf32>
    %get3A_4 = vector.shape_cast %get3A_3 : vector<1x16x32x128xf32> to vector<16x32x128xf32>
    %slice3A = vector.extract_strided_slice %get3A_4 {offsets = [0, 0, 0], sizes = [1, 32, 128], strides = [1, 1, 1]} : vector<16x32x128xf32> to vector<1x32x128xf32>
    %squeeze3A = vector.shape_cast %slice3A : vector<1x32x128xf32> to vector<32x128xf32>
    %slice3A_5 = vector.extract_strided_slice %get3A_4 {offsets = [1, 0, 0], sizes = [1, 32, 128], strides = [1, 1, 1]} : vector<16x32x128xf32> to vector<1x32x128xf32>
    %squeeze3A_6 = vector.shape_cast %slice3A_5 : vector<1x32x128xf32> to vector<32x128xf32>
    %slice3A_7 = vector.extract_strided_slice %get3A_4 {offsets = [2, 0, 0], sizes = [1, 32, 128], strides = [1, 1, 1]} : vector<16x32x128xf32> to vector<1x32x128xf32>
    %squeeze3A_8 = vector.shape_cast %slice3A_7 : vector<1x32x128xf32> to vector<32x128xf32>
    %slice3A_9 = vector.extract_strided_slice %get3A_4 {offsets = [3, 0, 0], sizes = [1, 32, 128], strides = [1, 1, 1]} : vector<16x32x128xf32> to vector<1x32x128xf32>
    %squeeze3A_10 = vector.shape_cast %slice3A_9 : vector<1x32x128xf32> to vector<32x128xf32>
    %slice3A_11 = vector.extract_strided_slice %get3A_4 {offsets = [4, 0, 0], sizes = [1, 32, 128], strides = [1, 1, 1]} : vector<16x32x128xf32> to vector<1x32x128xf32>
    %squeeze3A_12 = vector.shape_cast %slice3A_11 : vector<1x32x128xf32> to vector<32x128xf32>
    %slice3A_13 = vector.extract_strided_slice %get3A_4 {offsets = [5, 0, 0], sizes = [1, 32, 128], strides = [1, 1, 1]} : vector<16x32x128xf32> to vector<1x32x128xf32>
    %squeeze3A_14 = vector.shape_cast %slice3A_13 : vector<1x32x128xf32> to vector<32x128xf32>
    %get3A_15 = arith.constant 0 : index
    %get3A_16 = arith.constant 0 : index
    %get3A_17 = arith.constant 0 : index
    %get3A_18 = vector.load %arg3[%get3A_15, %get3A_16, %get3A_17] : memref<1x16x128xf32, #tpu.memory_space<vmem>>, vector<1x16x128xf32>
    %get3A_19 = vector.shape_cast %get3A_18 : vector<1x16x128xf32> to vector<16x128xf32>
    %slice3A_20 = vector.extract_strided_slice %get3A_19 {offsets = [0, 0], sizes = [1, 128], strides = [1, 1]} : vector<16x128xf32> to vector<1x128xf32>
    %slice3A_21 = vector.extract_strided_slice %get3A_19 {offsets = [1, 0], sizes = [1, 128], strides = [1, 1]} : vector<16x128xf32> to vector<1x128xf32>
    %slice3A_22 = vector.extract_strided_slice %get3A_19 {offsets = [2, 0], sizes = [1, 128], strides = [1, 1]} : vector<16x128xf32> to vector<1x128xf32>
    %slice3A_23 = vector.extract_strided_slice %get3A_19 {offsets = [3, 0], sizes = [1, 128], strides = [1, 1]} : vector<16x128xf32> to vector<1x128xf32>
    %slice3A_24 = vector.extract_strided_slice %get3A_19 {offsets = [4, 0], sizes = [1, 128], strides = [1, 1]} : vector<16x128xf32> to vector<1x128xf32>
    %slice3A_25 = vector.extract_strided_slice %get3A_19 {offsets = [5, 0], sizes = [1, 128], strides = [1, 1]} : vector<16x128xf32> to vector<1x128xf32>
    %sub3A = vector.broadcast %slice3A_20 : vector<1x128xf32> to vector<32x128xf32>
    %sub3A_26 = arith.subf %squeeze3A, %sub3A : vector<32x128xf32>
    %sub3A_27 = vector.broadcast %slice3A_21 : vector<1x128xf32> to vector<32x128xf32>
    %sub3A_28 = arith.subf %squeeze3A_6, %sub3A_27 : vector<32x128xf32>
    %sub3A_29 = vector.broadcast %slice3A_22 : vector<1x128xf32> to vector<32x128xf32>
    %sub3A_30 = arith.subf %squeeze3A_8, %sub3A_29 : vector<32x128xf32>
    %convert_element_type3A = arith.truncf %slice3A_23 : vector<1x128xf32> to vector<1x128xbf16>
    %convert_element_type3A_31 = arith.extf %convert_element_type3A : vector<1x128xbf16> to vector<1x128xf32>
    %convert_element_type3A_32 = arith.truncf %slice3A_24 : vector<1x128xf32> to vector<1x128xbf16>
    %convert_element_type3A_33 = arith.extf %convert_element_type3A_32 : vector<1x128xbf16> to vector<1x128xf32>
    %convert_element_type3A_34 = arith.truncf %slice3A_25 : vector<1x128xf32> to vector<1x128xbf16>
    %convert_element_type3A_35 = arith.extf %convert_element_type3A_34 : vector<1x128xbf16> to vector<1x128xf32>
    %convert_element_type3A_36 = arith.truncf %sub3A_26 : vector<32x128xf32> to vector<32x128xbf16>
    %convert_element_type3A_37 = arith.extf %convert_element_type3A_36 : vector<32x128xbf16> to vector<32x128xf32>
    %mul3A = vector.broadcast %convert_element_type3A_31 : vector<1x128xf32> to vector<32x128xf32>
    %mul3A_38 = arith.mulf %convert_element_type3A_37, %mul3A : vector<32x128xf32>
    %convert_element_type3A_39 = arith.truncf %sub3A_28 : vector<32x128xf32> to vector<32x128xbf16>
    %convert_element_type3A_40 = arith.extf %convert_element_type3A_39 : vector<32x128xbf16> to vector<32x128xf32>
    %mul3A_41 = vector.broadcast %convert_element_type3A_33 : vector<1x128xf32> to vector<32x128xf32>
    %mul3A_42 = arith.mulf %convert_element_type3A_40, %mul3A_41 : vector<32x128xf32>
    %add3A = arith.addf %mul3A_38, %mul3A_42 : vector<32x128xf32>
    %convert_element_type3A_43 = arith.truncf %sub3A_30 : vector<32x128xf32> to vector<32x128xbf16>
    %convert_element_type3A_44 = arith.extf %convert_element_type3A_43 : vector<32x128xbf16> to vector<32x128xf32>
    %mul3A_45 = vector.broadcast %convert_element_type3A_35 : vector<1x128xf32> to vector<32x128xf32>
    %mul3A_46 = arith.mulf %convert_element_type3A_44, %mul3A_45 : vector<32x128xf32>
    %add3A_47 = arith.addf %add3A, %mul3A_46 : vector<32x128xf32>
    %mul3A_48 = vector.broadcast %slice3A_23 : vector<1x128xf32> to vector<32x128xf32>
    %mul3A_49 = arith.mulf %add3A_47, %mul3A_48 : vector<32x128xf32>
    %sub3A_50 = arith.subf %sub3A_26, %mul3A_49 : vector<32x128xf32>
    %mul3A_51 = vector.broadcast %slice3A_24 : vector<1x128xf32> to vector<32x128xf32>
    %mul3A_52 = arith.mulf %add3A_47, %mul3A_51 : vector<32x128xf32>
    %sub3A_53 = arith.subf %sub3A_28, %mul3A_52 : vector<32x128xf32>
    %mul3A_54 = vector.broadcast %slice3A_25 : vector<1x128xf32> to vector<32x128xf32>
    %mul3A_55 = arith.mulf %add3A_47, %mul3A_54 : vector<32x128xf32>
    %sub3A_56 = arith.subf %sub3A_30, %mul3A_55 : vector<32x128xf32>
    %mul3A_57 = arith.mulf %sub3A_50, %sub3A_50 : vector<32x128xf32>
    %mul3A_58 = arith.mulf %sub3A_53, %sub3A_53 : vector<32x128xf32>
    %add3A_59 = arith.addf %mul3A_57, %mul3A_58 : vector<32x128xf32>
    %mul3A_60 = arith.mulf %sub3A_56, %sub3A_56 : vector<32x128xf32>
    %add3A_61 = arith.addf %add3A_59, %mul3A_60 : vector<32x128xf32>
    %sqrt3A = math.sqrt %add3A_61 : vector<32x128xf32>
    %div3A = arith.divf %sub3A_50, %sqrt3A : vector<32x128xf32>
    %div3A_62 = arith.divf %sub3A_53, %sqrt3A : vector<32x128xf32>
    %div3A_63 = arith.divf %sub3A_56, %sqrt3A : vector<32x128xf32>
    %ne3A = arith.cmpf one, %div3A, %div3A : vector<32x128xf32>
    %jit3A = arith.constant 0.000000e+00 : f32
    %broadcast_in_dim3A = vector.broadcast %jit3A : f32 to vector<32x128xf32>
    %select_n3A = arith.select %ne3A, %broadcast_in_dim3A, %div3A : vector<32x128xi1>, vector<32x128xf32>
    %ne3A_64 = arith.cmpf one, %div3A_62, %div3A_62 : vector<32x128xf32>
    %jit3A_65 = arith.constant 0.000000e+00 : f32
    %broadcast_in_dim3A_66 = vector.broadcast %jit3A_65 : f32 to vector<32x128xf32>
    %select_n3A_67 = arith.select %ne3A_64, %broadcast_in_dim3A_66, %div3A_62 : vector<32x128xi1>, vector<32x128xf32>
    %ne3A_68 = arith.cmpf one, %div3A_63, %div3A_63 : vector<32x128xf32>
    %jit3A_69 = arith.constant 0.000000e+00 : f32
    %broadcast_in_dim3A_70 = vector.broadcast %jit3A_69 : f32 to vector<32x128xf32>
    %select_n3A_71 = arith.select %ne3A_68, %broadcast_in_dim3A_70, %div3A_63 : vector<32x128xi1>, vector<32x128xf32>
    %iota3A = tpu.iota {dimensions = array<i32: 0>} : vector<32x128xi32>
    %convert_element_type3A_72 = arith.sitofp %iota3A : vector<32x128xi32> to vector<32x128xf32>
    %reduce_max3A = arith.constant dense<0xFF800000> : vector<128xf32>
    %reduce_max3A_73 = vector.multi_reduction <maximumf>, %sqrt3A, %reduce_max3A [0] : vector<32x128xf32> to vector<128xf32>
    %broadcast_in_dim3A_74 = vector.shape_cast %reduce_max3A_73 : vector<128xf32> to vector<1x128xf32>
    %eq3A = vector.broadcast %broadcast_in_dim3A_74 : vector<1x128xf32> to vector<32x128xf32>
    %eq3A_75 = arith.cmpf oeq, %sqrt3A, %eq3A : vector<32x128xf32>
    %jit3A_76 = arith.constant 3.200000e+01 : f32
    %broadcast_in_dim3A_77 = vector.broadcast %jit3A_76 : f32 to vector<32x128xf32>
    %select_n3A_78 = arith.select %eq3A_75, %convert_element_type3A_72, %broadcast_in_dim3A_77 : vector<32x128xi1>, vector<32x128xf32>
    %reduce_min3A = arith.constant dense<0x7F800000> : vector<128xf32>
    %reduce_min3A_79 = vector.multi_reduction <minimumf>, %select_n3A_78, %reduce_min3A [0] : vector<32x128xf32> to vector<128xf32>
    %broadcast_in_dim3A_80 = vector.shape_cast %reduce_min3A_79 : vector<128xf32> to vector<1x128xf32>
    %eq3A_81 = vector.broadcast %broadcast_in_dim3A_80 : vector<1x128xf32> to vector<32x128xf32>
    %eq3A_82 = arith.cmpf oeq, %convert_element_type3A_72, %eq3A_81 : vector<32x128xf32>
    %jit3A_83 = arith.constant 0.000000e+00 : f32
    %broadcast_in_dim3A_84 = vector.broadcast %jit3A_83 : f32 to vector<32x128xf32>
    %select_n3A_85 = arith.select %eq3A_82, %select_n3A, %broadcast_in_dim3A_84 : vector<32x128xi1>, vector<32x128xf32>
    %reduce_sum3A = arith.constant dense<0.000000e+00> : vector<128xf32>
    %reduce_sum3A_86 = vector.multi_reduction <add>, %select_n3A_85, %reduce_sum3A [0] : vector<32x128xf32> to vector<128xf32>
    %broadcast_in_dim3A_87 = vector.shape_cast %reduce_sum3A_86 : vector<128xf32> to vector<1x128xf32>
    %jit3A_88 = arith.constant 0.000000e+00 : f32
    %broadcast_in_dim3A_89 = vector.broadcast %jit3A_88 : f32 to vector<32x128xf32>
    %select_n3A_90 = arith.select %eq3A_82, %select_n3A_67, %broadcast_in_dim3A_89 : vector<32x128xi1>, vector<32x128xf32>
    %reduce_sum3A_91 = arith.constant dense<0.000000e+00> : vector<128xf32>
    %reduce_sum3A_92 = vector.multi_reduction <add>, %select_n3A_90, %reduce_sum3A_91 [0] : vector<32x128xf32> to vector<128xf32>
    %broadcast_in_dim3A_93 = vector.shape_cast %reduce_sum3A_92 : vector<128xf32> to vector<1x128xf32>
    %jit3A_94 = arith.constant 0.000000e+00 : f32
    %broadcast_in_dim3A_95 = vector.broadcast %jit3A_94 : f32 to vector<32x128xf32>
    %select_n3A_96 = arith.select %eq3A_82, %select_n3A_71, %broadcast_in_dim3A_95 : vector<32x128xi1>, vector<32x128xf32>
    %reduce_sum3A_97 = arith.constant dense<0.000000e+00> : vector<128xf32>
    %reduce_sum3A_98 = vector.multi_reduction <add>, %select_n3A_96, %reduce_sum3A_97 [0] : vector<32x128xf32> to vector<128xf32>
    %broadcast_in_dim3A_99 = vector.shape_cast %reduce_sum3A_98 : vector<128xf32> to vector<1x128xf32>
    %convert_element_type3A_100 = arith.truncf %select_n3A : vector<32x128xf32> to vector<32x128xbf16>
    %convert_element_type3A_101 = arith.extf %convert_element_type3A_100 : vector<32x128xbf16> to vector<32x128xf32>
    %convert_element_type3A_102 = arith.truncf %broadcast_in_dim3A_87 : vector<1x128xf32> to vector<1x128xbf16>
    %convert_element_type3A_103 = arith.extf %convert_element_type3A_102 : vector<1x128xbf16> to vector<1x128xf32>
    %mul3A_104 = vector.broadcast %convert_element_type3A_103 : vector<1x128xf32> to vector<32x128xf32>
    %mul3A_105 = arith.mulf %convert_element_type3A_101, %mul3A_104 : vector<32x128xf32>
    %convert_element_type3A_106 = arith.truncf %select_n3A_67 : vector<32x128xf32> to vector<32x128xbf16>
    %convert_element_type3A_107 = arith.extf %convert_element_type3A_106 : vector<32x128xbf16> to vector<32x128xf32>
    %convert_element_type3A_108 = arith.truncf %broadcast_in_dim3A_93 : vector<1x128xf32> to vector<1x128xbf16>
    %convert_element_type3A_109 = arith.extf %convert_element_type3A_108 : vector<1x128xbf16> to vector<1x128xf32>
    %mul3A_110 = vector.broadcast %convert_element_type3A_109 : vector<1x128xf32> to vector<32x128xf32>
    %mul3A_111 = arith.mulf %convert_element_type3A_107, %mul3A_110 : vector<32x128xf32>
    %add3A_112 = arith.addf %mul3A_105, %mul3A_111 : vector<32x128xf32>
    %convert_element_type3A_113 = arith.truncf %select_n3A_71 : vector<32x128xf32> to vector<32x128xbf16>
    %convert_element_type3A_114 = arith.extf %convert_element_type3A_113 : vector<32x128xbf16> to vector<32x128xf32>
    %convert_element_type3A_115 = arith.truncf %broadcast_in_dim3A_99 : vector<1x128xf32> to vector<1x128xbf16>
    %convert_element_type3A_116 = arith.extf %convert_element_type3A_115 : vector<1x128xbf16> to vector<1x128xf32>
    %mul3A_117 = vector.broadcast %convert_element_type3A_116 : vector<1x128xf32> to vector<32x128xf32>
    %mul3A_118 = arith.mulf %convert_element_type3A_114, %mul3A_117 : vector<32x128xf32>
    %add3A_119 = arith.addf %add3A_112, %mul3A_118 : vector<32x128xf32>
    %mul3A_120 = vector.broadcast %broadcast_in_dim3A_99 : vector<1x128xf32> to vector<32x128xf32>
    %mul3A_121 = arith.mulf %select_n3A_67, %mul3A_120 : vector<32x128xf32>
    %mul3A_122 = vector.broadcast %broadcast_in_dim3A_93 : vector<1x128xf32> to vector<32x128xf32>
    %mul3A_123 = arith.mulf %select_n3A_71, %mul3A_122 : vector<32x128xf32>
    %sub3A_124 = arith.subf %mul3A_121, %mul3A_123 : vector<32x128xf32>
    %mul3A_125 = vector.broadcast %broadcast_in_dim3A_87 : vector<1x128xf32> to vector<32x128xf32>
    %mul3A_126 = arith.mulf %select_n3A_71, %mul3A_125 : vector<32x128xf32>
    %mul3A_127 = vector.broadcast %broadcast_in_dim3A_99 : vector<1x128xf32> to vector<32x128xf32>
    %mul3A_128 = arith.mulf %select_n3A, %mul3A_127 : vector<32x128xf32>
    %sub3A_129 = arith.subf %mul3A_126, %mul3A_128 : vector<32x128xf32>
    %mul3A_130 = vector.broadcast %broadcast_in_dim3A_93 : vector<1x128xf32> to vector<32x128xf32>
    %mul3A_131 = arith.mulf %select_n3A, %mul3A_130 : vector<32x128xf32>
    %mul3A_132 = vector.broadcast %broadcast_in_dim3A_87 : vector<1x128xf32> to vector<32x128xf32>
    %mul3A_133 = arith.mulf %select_n3A_67, %mul3A_132 : vector<32x128xf32>
    %sub3A_134 = arith.subf %mul3A_131, %mul3A_133 : vector<32x128xf32>
    %convert_element_type3A_135 = arith.truncf %sub3A_124 : vector<32x128xf32> to vector<32x128xbf16>
    %convert_element_type3A_136 = arith.extf %convert_element_type3A_135 : vector<32x128xbf16> to vector<32x128xf32>
    %mul3A_137 = vector.broadcast %convert_element_type3A_31 : vector<1x128xf32> to vector<32x128xf32>
    %mul3A_138 = arith.mulf %convert_element_type3A_136, %mul3A_137 : vector<32x128xf32>
    %convert_element_type3A_139 = arith.truncf %sub3A_129 : vector<32x128xf32> to vector<32x128xbf16>
    %convert_element_type3A_140 = arith.extf %convert_element_type3A_139 : vector<32x128xbf16> to vector<32x128xf32>
    %mul3A_141 = vector.broadcast %convert_element_type3A_33 : vector<1x128xf32> to vector<32x128xf32>
    %mul3A_142 = arith.mulf %convert_element_type3A_140, %mul3A_141 : vector<32x128xf32>
    %add3A_143 = arith.addf %mul3A_138, %mul3A_142 : vector<32x128xf32>
    %convert_element_type3A_144 = arith.truncf %sub3A_134 : vector<32x128xf32> to vector<32x128xbf16>
    %convert_element_type3A_145 = arith.extf %convert_element_type3A_144 : vector<32x128xbf16> to vector<32x128xf32>
    %mul3A_146 = vector.broadcast %convert_element_type3A_35 : vector<1x128xf32> to vector<32x128xf32>
    %mul3A_147 = arith.mulf %convert_element_type3A_145, %mul3A_146 : vector<32x128xf32>
    %add3A_148 = arith.addf %add3A_143, %mul3A_147 : vector<32x128xf32>
    %sign3A = tpu.bitcast %add3A_148 : vector<32x128xf32> -> vector<32x128xi32>
    %sign3A_149 = arith.constant -2147483648 : i32
    %sign3A_150 = vector.broadcast %sign3A_149 : i32 to vector<32x128xi32>
    %sign3A_151 = arith.andi %sign3A, %sign3A_150 : vector<32x128xi32>
    %sign3A_152 = arith.constant 1065353216 : i32
    %sign3A_153 = vector.broadcast %sign3A_152 : i32 to vector<32x128xi32>
    %sign3A_154 = arith.ori %sign3A_153, %sign3A_151 : vector<32x128xi32>
    %sign3A_155 = tpu.bitcast %sign3A_154 : vector<32x128xi32> -> vector<32x128xf32>
    %sign3A_156 = math.absf %add3A_148 : vector<32x128xf32>
    %sign3A_157 = arith.constant 0.000000e+00 : f32
    %sign3A_158 = vector.broadcast %sign3A_157 : f32 to vector<32x128xf32>
    %sign3A_159 = arith.cmpf ogt, %sign3A_156, %sign3A_158 : vector<32x128xf32>
    %sign3A_160 = arith.select %sign3A_159, %sign3A_155, %add3A_148 : vector<32x128xi1>, vector<32x128xf32>
    %eq3A_161 = arith.constant 0 : i32
    %eq3A_162 = vector.broadcast %eq3A_161 : i32 to vector<32x128xi32>
    %eq3A_163 = arith.cmpi eq, %iota3A, %eq3A_162 : vector<32x128xi32>
    %jit3A_164 = arith.constant 1.000000e+00 : f32
    %broadcast_in_dim3A_165 = vector.broadcast %jit3A_164 : f32 to vector<32x128xf32>
    %select_n3A_166 = arith.select %eq3A_163, %broadcast_in_dim3A_165, %sign3A_160 : vector<32x128xi1>, vector<32x128xf32>
    %mul3A_167 = arith.mulf %select_n3A_166, %add3A_119 : vector<32x128xf32>
    %sub3A_168 = arith.constant 1.000000e+00 : f32
    %sub3A_169 = vector.broadcast %sub3A_168 : f32 to vector<32x128xf32>
    %sub3A_170 = arith.subf %sub3A_169, %select_n3A_166 : vector<32x128xf32>
    %sub3A_171 = arith.subf %mul3A_167, %sub3A_170 : vector<32x128xf32>
    %iota3A_172 = tpu.iota {dimensions = array<i32: 0>} : vector<32x32x128xi32>
    %iota3A_173 = tpu.iota {dimensions = array<i32: 1>} : vector<32x32x128xi32>
    %broadcast_in_dim3A_174 = vector.shape_cast %sub3A_171 : vector<32x128xf32> to vector<32x1x128xf32>
    %broadcast_in_dim3A_175 = vector.shape_cast %sub3A_171 : vector<32x128xf32> to vector<1x32x128xf32>
    %gt3A = vector.broadcast %broadcast_in_dim3A_174 : vector<32x1x128xf32> to vector<32x32x128xf32>
    %gt3A_176 = vector.broadcast %broadcast_in_dim3A_175 : vector<1x32x128xf32> to vector<32x32x128xf32>
    %gt3A_177 = arith.cmpf ogt, %gt3A, %gt3A_176 : vector<32x32x128xf32>
    %eq3A_178 = vector.broadcast %broadcast_in_dim3A_174 : vector<32x1x128xf32> to vector<32x32x128xf32>
    %eq3A_179 = vector.broadcast %broadcast_in_dim3A_175 : vector<1x32x128xf32> to vector<32x32x128xf32>
    %eq3A_180 = arith.cmpf oeq, %eq3A_178, %eq3A_179 : vector<32x32x128xf32>
    %lt3A = arith.cmpi slt, %iota3A_172, %iota3A_173 : vector<32x32x128xi32>
    %and3A = arith.andi %eq3A_180, %lt3A : vector<32x32x128xi1>
    %or3A = arith.ori %gt3A_177, %and3A : vector<32x32x128xi1>
    %convert_element_type3A_181 = arith.extui %or3A : vector<32x32x128xi1> to vector<32x32x128xi32>
    %reduce_sum3A_182 = arith.constant dense<0> : vector<32x128xi32>
    %reduce_sum3A_183 = vector.multi_reduction <add>, %convert_element_type3A_181, %reduce_sum3A_182 [0] : vector<32x32x128xi32> to vector<32x128xi32>
    %broadcast_in_dim3A_184 = vector.shape_cast %reduce_sum3A_183 : vector<32x128xi32> to vector<32x1x128xi32>
    %eq3A_185 = vector.broadcast %broadcast_in_dim3A_184 : vector<32x1x128xi32> to vector<32x32x128xi32>
    %eq3A_186 = arith.cmpi eq, %eq3A_185, %iota3A_173 : vector<32x32x128xi32>
    %convert_element_type3A_187 = arith.extui %eq3A_186 : vector<32x32x128xi1> to vector<32x32x128xi32>
    %convert_element_type3A_188 = arith.sitofp %convert_element_type3A_187 : vector<32x32x128xi32> to vector<32x32x128xf32>
    %broadcast_in_dim3A_189 = vector.shape_cast %sub3A_26 : vector<32x128xf32> to vector<32x1x128xf32>
    %mul3A_190 = vector.broadcast %broadcast_in_dim3A_189 : vector<32x1x128xf32> to vector<32x32x128xf32>
    %mul3A_191 = arith.mulf %convert_element_type3A_188, %mul3A_190 : vector<32x32x128xf32>
    %reduce_sum3A_192 = arith.constant dense<0.000000e+00> : vector<32x128xf32>
    %reduce_sum3A_193 = vector.multi_reduction <add>, %mul3A_191, %reduce_sum3A_192 [0] : vector<32x32x128xf32> to vector<32x128xf32>
    %broadcast_in_dim3A_194 = vector.shape_cast %sub3A_28 : vector<32x128xf32> to vector<32x1x128xf32>
    %mul3A_195 = vector.broadcast %broadcast_in_dim3A_194 : vector<32x1x128xf32> to vector<32x32x128xf32>
    %mul3A_196 = arith.mulf %convert_element_type3A_188, %mul3A_195 : vector<32x32x128xf32>
    %reduce_sum3A_197 = arith.constant dense<0.000000e+00> : vector<32x128xf32>
    %reduce_sum3A_198 = vector.multi_reduction <add>, %mul3A_196, %reduce_sum3A_197 [0] : vector<32x32x128xf32> to vector<32x128xf32>
    %broadcast_in_dim3A_199 = vector.shape_cast %sub3A_30 : vector<32x128xf32> to vector<32x1x128xf32>
    %mul3A_200 = vector.broadcast %broadcast_in_dim3A_199 : vector<32x1x128xf32> to vector<32x32x128xf32>
    %mul3A_201 = arith.mulf %convert_element_type3A_188, %mul3A_200 : vector<32x32x128xf32>
    %reduce_sum3A_202 = arith.constant dense<0.000000e+00> : vector<32x128xf32>
    %reduce_sum3A_203 = vector.multi_reduction <add>, %mul3A_201, %reduce_sum3A_202 [0] : vector<32x32x128xf32> to vector<32x128xf32>
    %broadcast_in_dim3A_204 = vector.shape_cast %squeeze3A_10 : vector<32x128xf32> to vector<32x1x128xf32>
    %mul3A_205 = vector.broadcast %broadcast_in_dim3A_204 : vector<32x1x128xf32> to vector<32x32x128xf32>
    %mul3A_206 = arith.mulf %convert_element_type3A_188, %mul3A_205 : vector<32x32x128xf32>
    %reduce_sum3A_207 = arith.constant dense<0.000000e+00> : vector<32x128xf32>
    %reduce_sum3A_208 = vector.multi_reduction <add>, %mul3A_206, %reduce_sum3A_207 [0] : vector<32x32x128xf32> to vector<32x128xf32>
    %broadcast_in_dim3A_209 = vector.shape_cast %squeeze3A_12 : vector<32x128xf32> to vector<32x1x128xf32>
    %mul3A_210 = vector.broadcast %broadcast_in_dim3A_209 : vector<32x1x128xf32> to vector<32x32x128xf32>
    %mul3A_211 = arith.mulf %convert_element_type3A_188, %mul3A_210 : vector<32x32x128xf32>
    %reduce_sum3A_212 = arith.constant dense<0.000000e+00> : vector<32x128xf32>
    %reduce_sum3A_213 = vector.multi_reduction <add>, %mul3A_211, %reduce_sum3A_212 [0] : vector<32x32x128xf32> to vector<32x128xf32>
    %broadcast_in_dim3A_214 = vector.shape_cast %squeeze3A_14 : vector<32x128xf32> to vector<32x1x128xf32>
    %mul3A_215 = vector.broadcast %broadcast_in_dim3A_214 : vector<32x1x128xf32> to vector<32x32x128xf32>
    %mul3A_216 = arith.mulf %convert_element_type3A_188, %mul3A_215 : vector<32x32x128xf32>
    %reduce_sum3A_217 = arith.constant dense<0.000000e+00> : vector<32x128xf32>
    %reduce_sum3A_218 = vector.multi_reduction <add>, %mul3A_216, %reduce_sum3A_217 [0] : vector<32x32x128xf32> to vector<32x128xf32>
    %slice3A_219 = vector.extract_strided_slice %reduce_sum3A_193 {offsets = [30, 0], sizes = [2, 128], strides = [1, 1]} : vector<32x128xf32> to vector<2x128xf32>
    %slice3A_220 = vector.extract_strided_slice %reduce_sum3A_193 {offsets = [0, 0], sizes = [30, 128], strides = [1, 1]} : vector<32x128xf32> to vector<30x128xf32>
    %concatenate3A = tpu.concatenate %slice3A_219, %slice3A_220 in 0 : vector<2x128xf32>, vector<30x128xf32> -> vector<32x128xf32>
    %slice3A_221 = vector.extract_strided_slice %reduce_sum3A_198 {offsets = [30, 0], sizes = [2, 128], strides = [1, 1]} : vector<32x128xf32> to vector<2x128xf32>
    %slice3A_222 = vector.extract_strided_slice %reduce_sum3A_198 {offsets = [0, 0], sizes = [30, 128], strides = [1, 1]} : vector<32x128xf32> to vector<30x128xf32>
    %concatenate3A_223 = tpu.concatenate %slice3A_221, %slice3A_222 in 0 : vector<2x128xf32>, vector<30x128xf32> -> vector<32x128xf32>
    %slice3A_224 = vector.extract_strided_slice %reduce_sum3A_203 {offsets = [30, 0], sizes = [2, 128], strides = [1, 1]} : vector<32x128xf32> to vector<2x128xf32>
    %slice3A_225 = vector.extract_strided_slice %reduce_sum3A_203 {offsets = [0, 0], sizes = [30, 128], strides = [1, 1]} : vector<32x128xf32> to vector<30x128xf32>
    %concatenate3A_226 = tpu.concatenate %slice3A_224, %slice3A_225 in 0 : vector<2x128xf32>, vector<30x128xf32> -> vector<32x128xf32>
    %slice3A_227 = vector.extract_strided_slice %reduce_sum3A_208 {offsets = [30, 0], sizes = [2, 128], strides = [1, 1]} : vector<32x128xf32> to vector<2x128xf32>
    %slice3A_228 = vector.extract_strided_slice %reduce_sum3A_208 {offsets = [0, 0], sizes = [30, 128], strides = [1, 1]} : vector<32x128xf32> to vector<30x128xf32>
    %concatenate3A_229 = tpu.concatenate %slice3A_227, %slice3A_228 in 0 : vector<2x128xf32>, vector<30x128xf32> -> vector<32x128xf32>
    %slice3A_230 = vector.extract_strided_slice %reduce_sum3A_213 {offsets = [30, 0], sizes = [2, 128], strides = [1, 1]} : vector<32x128xf32> to vector<2x128xf32>
    %slice3A_231 = vector.extract_strided_slice %reduce_sum3A_213 {offsets = [0, 0], sizes = [30, 128], strides = [1, 1]} : vector<32x128xf32> to vector<30x128xf32>
    %concatenate3A_232 = tpu.concatenate %slice3A_230, %slice3A_231 in 0 : vector<2x128xf32>, vector<30x128xf32> -> vector<32x128xf32>
    %slice3A_233 = vector.extract_strided_slice %reduce_sum3A_218 {offsets = [30, 0], sizes = [2, 128], strides = [1, 1]} : vector<32x128xf32> to vector<2x128xf32>
    %slice3A_234 = vector.extract_strided_slice %reduce_sum3A_218 {offsets = [0, 0], sizes = [30, 128], strides = [1, 1]} : vector<32x128xf32> to vector<30x128xf32>
    %concatenate3A_235 = tpu.concatenate %slice3A_233, %slice3A_234 in 0 : vector<2x128xf32>, vector<30x128xf32> -> vector<32x128xf32>
    %slice3A_236 = vector.extract_strided_slice %reduce_sum3A_193 {offsets = [2, 0], sizes = [30, 128], strides = [1, 1]} : vector<32x128xf32> to vector<30x128xf32>
    %slice3A_237 = vector.extract_strided_slice %reduce_sum3A_193 {offsets = [0, 0], sizes = [2, 128], strides = [1, 1]} : vector<32x128xf32> to vector<2x128xf32>
    %concatenate3A_238 = tpu.concatenate %slice3A_236, %slice3A_237 in 0 : vector<30x128xf32>, vector<2x128xf32> -> vector<32x128xf32>
    %slice3A_239 = vector.extract_strided_slice %reduce_sum3A_198 {offsets = [2, 0], sizes = [30, 128], strides = [1, 1]} : vector<32x128xf32> to vector<30x128xf32>
    %slice3A_240 = vector.extract_strided_slice %reduce_sum3A_198 {offsets = [0, 0], sizes = [2, 128], strides = [1, 1]} : vector<32x128xf32> to vector<2x128xf32>
    %concatenate3A_241 = tpu.concatenate %slice3A_239, %slice3A_240 in 0 : vector<30x128xf32>, vector<2x128xf32> -> vector<32x128xf32>
    %slice3A_242 = vector.extract_strided_slice %reduce_sum3A_203 {offsets = [2, 0], sizes = [30, 128], strides = [1, 1]} : vector<32x128xf32> to vector<30x128xf32>
    %slice3A_243 = vector.extract_strided_slice %reduce_sum3A_203 {offsets = [0, 0], sizes = [2, 128], strides = [1, 1]} : vector<32x128xf32> to vector<2x128xf32>
    %concatenate3A_244 = tpu.concatenate %slice3A_242, %slice3A_243 in 0 : vector<30x128xf32>, vector<2x128xf32> -> vector<32x128xf32>
    %slice3A_245 = vector.extract_strided_slice %reduce_sum3A_208 {offsets = [2, 0], sizes = [30, 128], strides = [1, 1]} : vector<32x128xf32> to vector<30x128xf32>
    %slice3A_246 = vector.extract_strided_slice %reduce_sum3A_208 {offsets = [0, 0], sizes = [2, 128], strides = [1, 1]} : vector<32x128xf32> to vector<2x128xf32>
    %concatenate3A_247 = tpu.concatenate %slice3A_245, %slice3A_246 in 0 : vector<30x128xf32>, vector<2x128xf32> -> vector<32x128xf32>
    %slice3A_248 = vector.extract_strided_slice %reduce_sum3A_213 {offsets = [2, 0], sizes = [30, 128], strides = [1, 1]} : vector<32x128xf32> to vector<30x128xf32>
    %slice3A_249 = vector.extract_strided_slice %reduce_sum3A_213 {offsets = [0, 0], sizes = [2, 128], strides = [1, 1]} : vector<32x128xf32> to vector<2x128xf32>
    %concatenate3A_250 = tpu.concatenate %slice3A_248, %slice3A_249 in 0 : vector<30x128xf32>, vector<2x128xf32> -> vector<32x128xf32>
    %slice3A_251 = vector.extract_strided_slice %reduce_sum3A_218 {offsets = [2, 0], sizes = [30, 128], strides = [1, 1]} : vector<32x128xf32> to vector<30x128xf32>
    %slice3A_252 = vector.extract_strided_slice %reduce_sum3A_218 {offsets = [0, 0], sizes = [2, 128], strides = [1, 1]} : vector<32x128xf32> to vector<2x128xf32>
    %concatenate3A_253 = tpu.concatenate %slice3A_251, %slice3A_252 in 0 : vector<30x128xf32>, vector<2x128xf32> -> vector<32x128xf32>
    %mul3A_254 = arith.mulf %reduce_sum3A_193, %reduce_sum3A_193 : vector<32x128xf32>
    %mul3A_255 = arith.mulf %reduce_sum3A_198, %reduce_sum3A_198 : vector<32x128xf32>
    %add3A_256 = arith.addf %mul3A_254, %mul3A_255 : vector<32x128xf32>
    %mul3A_257 = arith.mulf %reduce_sum3A_203, %reduce_sum3A_203 : vector<32x128xf32>
    %add3A_258 = arith.addf %add3A_256, %mul3A_257 : vector<32x128xf32>
    %sqrt3A_259 = math.sqrt %add3A_258 : vector<32x128xf32>
    %add3A_260 = arith.constant 1.000000e-07 : f32
    %add3A_261 = vector.broadcast %add3A_260 : f32 to vector<32x128xf32>
    %add3A_262 = arith.addf %sqrt3A_259, %add3A_261 : vector<32x128xf32>
    %div3A_263 = arith.constant 1.000000e+00 : f32
    %div3A_264 = vector.broadcast %div3A_263 : f32 to vector<32x128xf32>
    %div3A_265 = arith.divf %div3A_264, %add3A_262 : vector<32x128xf32>
    %neg3A = arith.constant 0.000000e+00 : f32
    %neg3A_266 = vector.broadcast %neg3A : f32 to vector<32x128xf32>
    %neg3A_267 = arith.subf %neg3A_266, %reduce_sum3A_193 : vector<32x128xf32>
    %mul3A_268 = arith.mulf %neg3A_267, %div3A_265 : vector<32x128xf32>
    %neg3A_269 = arith.constant 0.000000e+00 : f32
    %neg3A_270 = vector.broadcast %neg3A_269 : f32 to vector<32x128xf32>
    %neg3A_271 = arith.subf %neg3A_270, %reduce_sum3A_198 : vector<32x128xf32>
    %mul3A_272 = arith.mulf %neg3A_271, %div3A_265 : vector<32x128xf32>
    %neg3A_273 = arith.constant 0.000000e+00 : f32
    %neg3A_274 = vector.broadcast %neg3A_273 : f32 to vector<32x128xf32>
    %neg3A_275 = arith.subf %neg3A_274, %reduce_sum3A_203 : vector<32x128xf32>
    %mul3A_276 = arith.mulf %neg3A_275, %div3A_265 : vector<32x128xf32>
    %mul3A_277 = vector.broadcast %slice3A_23 : vector<1x128xf32> to vector<32x128xf32>
    %mul3A_278 = arith.mulf %mul3A_268, %mul3A_277 : vector<32x128xf32>
    %mul3A_279 = vector.broadcast %slice3A_24 : vector<1x128xf32> to vector<32x128xf32>
    %mul3A_280 = arith.mulf %mul3A_272, %mul3A_279 : vector<32x128xf32>
    %add3A_281 = arith.addf %mul3A_278, %mul3A_280 : vector<32x128xf32>
    %mul3A_282 = vector.broadcast %slice3A_25 : vector<1x128xf32> to vector<32x128xf32>
    %mul3A_283 = arith.mulf %mul3A_276, %mul3A_282 : vector<32x128xf32>
    %add3A_284 = arith.addf %add3A_281, %mul3A_283 : vector<32x128xf32>
    %neg3A_285 = arith.constant 0.000000e+00 : f32
    %neg3A_286 = vector.broadcast %neg3A_285 : f32 to vector<32x128xf32>
    %neg3A_287 = arith.subf %neg3A_286, %add3A_284 : vector<32x128xf32>
    %mul3A_288 = arith.mulf %mul3A_268, %reduce_sum3A_208 : vector<32x128xf32>
    %mul3A_289 = arith.mulf %mul3A_272, %reduce_sum3A_213 : vector<32x128xf32>
    %add3A_290 = arith.addf %mul3A_288, %mul3A_289 : vector<32x128xf32>
    %mul3A_291 = arith.mulf %mul3A_276, %reduce_sum3A_218 : vector<32x128xf32>
    %add3A_292 = arith.addf %add3A_290, %mul3A_291 : vector<32x128xf32>
    %mul3A_293 = arith.mulf %concatenate3A, %concatenate3A : vector<32x128xf32>
    %mul3A_294 = arith.mulf %concatenate3A_223, %concatenate3A_223 : vector<32x128xf32>
    %add3A_295 = arith.addf %mul3A_293, %mul3A_294 : vector<32x128xf32>
    %mul3A_296 = arith.mulf %concatenate3A_226, %concatenate3A_226 : vector<32x128xf32>
    %add3A_297 = arith.addf %add3A_295, %mul3A_296 : vector<32x128xf32>
    %sqrt3A_298 = math.sqrt %add3A_297 : vector<32x128xf32>
    %add3A_299 = arith.constant 1.000000e-07 : f32
    %add3A_300 = vector.broadcast %add3A_299 : f32 to vector<32x128xf32>
    %add3A_301 = arith.addf %sqrt3A_298, %add3A_300 : vector<32x128xf32>
    %div3A_302 = arith.constant 1.000000e+00 : f32
    %div3A_303 = vector.broadcast %div3A_302 : f32 to vector<32x128xf32>
    %div3A_304 = arith.divf %div3A_303, %add3A_301 : vector<32x128xf32>
    %neg3A_305 = arith.constant 0.000000e+00 : f32
    %neg3A_306 = vector.broadcast %neg3A_305 : f32 to vector<32x128xf32>
    %neg3A_307 = arith.subf %neg3A_306, %concatenate3A : vector<32x128xf32>
    %mul3A_308 = arith.mulf %neg3A_307, %div3A_304 : vector<32x128xf32>
    %neg3A_309 = arith.constant 0.000000e+00 : f32
    %neg3A_310 = vector.broadcast %neg3A_309 : f32 to vector<32x128xf32>
    %neg3A_311 = arith.subf %neg3A_310, %concatenate3A_223 : vector<32x128xf32>
    %mul3A_312 = arith.mulf %neg3A_311, %div3A_304 : vector<32x128xf32>
    %neg3A_313 = arith.constant 0.000000e+00 : f32
    %neg3A_314 = vector.broadcast %neg3A_313 : f32 to vector<32x128xf32>
    %neg3A_315 = arith.subf %neg3A_314, %concatenate3A_226 : vector<32x128xf32>
    %mul3A_316 = arith.mulf %neg3A_315, %div3A_304 : vector<32x128xf32>
    %mul3A_317 = vector.broadcast %slice3A_23 : vector<1x128xf32> to vector<32x128xf32>
    %mul3A_318 = arith.mulf %mul3A_308, %mul3A_317 : vector<32x128xf32>
    %mul3A_319 = vector.broadcast %slice3A_24 : vector<1x128xf32> to vector<32x128xf32>
    %mul3A_320 = arith.mulf %mul3A_312, %mul3A_319 : vector<32x128xf32>
    %add3A_321 = arith.addf %mul3A_318, %mul3A_320 : vector<32x128xf32>
    %mul3A_322 = vector.broadcast %slice3A_25 : vector<1x128xf32> to vector<32x128xf32>
    %mul3A_323 = arith.mulf %mul3A_316, %mul3A_322 : vector<32x128xf32>
    %add3A_324 = arith.addf %add3A_321, %mul3A_323 : vector<32x128xf32>
    %neg3A_325 = arith.constant 0.000000e+00 : f32
    %neg3A_326 = vector.broadcast %neg3A_325 : f32 to vector<32x128xf32>
    %neg3A_327 = arith.subf %neg3A_326, %add3A_324 : vector<32x128xf32>
    %mul3A_328 = arith.mulf %mul3A_308, %concatenate3A_229 : vector<32x128xf32>
    %mul3A_329 = arith.mulf %mul3A_312, %concatenate3A_232 : vector<32x128xf32>
    %add3A_330 = arith.addf %mul3A_328, %mul3A_329 : vector<32x128xf32>
    %mul3A_331 = arith.mulf %mul3A_316, %concatenate3A_235 : vector<32x128xf32>
    %add3A_332 = arith.addf %add3A_330, %mul3A_331 : vector<32x128xf32>
    %sub3A_333 = arith.subf %reduce_sum3A_193, %concatenate3A : vector<32x128xf32>
    %sub3A_334 = arith.subf %reduce_sum3A_198, %concatenate3A_223 : vector<32x128xf32>
    %sub3A_335 = arith.subf %reduce_sum3A_203, %concatenate3A_226 : vector<32x128xf32>
    %mul3A_336 = arith.mulf %sub3A_333, %sub3A_333 : vector<32x128xf32>
    %mul3A_337 = arith.mulf %sub3A_334, %sub3A_334 : vector<32x128xf32>
    %add3A_338 = arith.addf %mul3A_336, %mul3A_337 : vector<32x128xf32>
    %mul3A_339 = arith.mulf %sub3A_335, %sub3A_335 : vector<32x128xf32>
    %add3A_340 = arith.addf %add3A_338, %mul3A_339 : vector<32x128xf32>
    %sqrt3A_341 = math.sqrt %add3A_340 : vector<32x128xf32>
    %add3A_342 = arith.constant 1.000000e-07 : f32
    %add3A_343 = vector.broadcast %add3A_342 : f32 to vector<32x128xf32>
    %add3A_344 = arith.addf %sqrt3A_341, %add3A_343 : vector<32x128xf32>
    %div3A_345 = arith.constant 1.000000e+00 : f32
    %div3A_346 = vector.broadcast %div3A_345 : f32 to vector<32x128xf32>
    %div3A_347 = arith.divf %div3A_346, %add3A_344 : vector<32x128xf32>
    %mul3A_348 = arith.mulf %sub3A_333, %div3A_347 : vector<32x128xf32>
    %mul3A_349 = arith.mulf %sub3A_334, %div3A_347 : vector<32x128xf32>
    %mul3A_350 = arith.mulf %sub3A_335, %div3A_347 : vector<32x128xf32>
    %mul3A_351 = arith.mulf %mul3A_348, %reduce_sum3A_208 : vector<32x128xf32>
    %mul3A_352 = arith.mulf %mul3A_349, %reduce_sum3A_213 : vector<32x128xf32>
    %add3A_353 = arith.addf %mul3A_351, %mul3A_352 : vector<32x128xf32>
    %mul3A_354 = arith.mulf %mul3A_350, %reduce_sum3A_218 : vector<32x128xf32>
    %add3A_355 = arith.addf %add3A_353, %mul3A_354 : vector<32x128xf32>
    %neg3A_356 = arith.constant 0.000000e+00 : f32
    %neg3A_357 = vector.broadcast %neg3A_356 : f32 to vector<32x128xf32>
    %neg3A_358 = arith.subf %neg3A_357, %add3A_355 : vector<32x128xf32>
    %mul3A_359 = arith.mulf %mul3A_348, %concatenate3A_229 : vector<32x128xf32>
    %mul3A_360 = arith.mulf %mul3A_349, %concatenate3A_232 : vector<32x128xf32>
    %add3A_361 = arith.addf %mul3A_359, %mul3A_360 : vector<32x128xf32>
    %mul3A_362 = arith.mulf %mul3A_350, %concatenate3A_235 : vector<32x128xf32>
    %add3A_363 = arith.addf %add3A_361, %mul3A_362 : vector<32x128xf32>
    %mul3A_364 = arith.mulf %mul3A_268, %mul3A_308 : vector<32x128xf32>
    %mul3A_365 = arith.mulf %mul3A_272, %mul3A_312 : vector<32x128xf32>
    %add3A_366 = arith.addf %mul3A_364, %mul3A_365 : vector<32x128xf32>
    %mul3A_367 = arith.mulf %mul3A_276, %mul3A_316 : vector<32x128xf32>
    %add3A_368 = arith.addf %add3A_366, %mul3A_367 : vector<32x128xf32>
    %mul3A_369 = arith.mulf %mul3A_308, %mul3A_348 : vector<32x128xf32>
    %mul3A_370 = arith.mulf %mul3A_312, %mul3A_349 : vector<32x128xf32>
    %add3A_371 = arith.addf %mul3A_369, %mul3A_370 : vector<32x128xf32>
    %mul3A_372 = arith.mulf %mul3A_316, %mul3A_350 : vector<32x128xf32>
    %add3A_373 = arith.addf %add3A_371, %mul3A_372 : vector<32x128xf32>
    %mul3A_374 = arith.mulf %concatenate3A_238, %concatenate3A_238 : vector<32x128xf32>
    %mul3A_375 = arith.mulf %concatenate3A_241, %concatenate3A_241 : vector<32x128xf32>
    %add3A_376 = arith.addf %mul3A_374, %mul3A_375 : vector<32x128xf32>
    %mul3A_377 = arith.mulf %concatenate3A_244, %concatenate3A_244 : vector<32x128xf32>
    %add3A_378 = arith.addf %add3A_376, %mul3A_377 : vector<32x128xf32>
    %sqrt3A_379 = math.sqrt %add3A_378 : vector<32x128xf32>
    %add3A_380 = arith.constant 1.000000e-07 : f32
    %add3A_381 = vector.broadcast %add3A_380 : f32 to vector<32x128xf32>
    %add3A_382 = arith.addf %sqrt3A_379, %add3A_381 : vector<32x128xf32>
    %div3A_383 = arith.constant 1.000000e+00 : f32
    %div3A_384 = vector.broadcast %div3A_383 : f32 to vector<32x128xf32>
    %div3A_385 = arith.divf %div3A_384, %add3A_382 : vector<32x128xf32>
    %mul3A_386 = arith.mulf %concatenate3A_238, %div3A_385 : vector<32x128xf32>
    %mul3A_387 = arith.mulf %concatenate3A_241, %div3A_385 : vector<32x128xf32>
    %mul3A_388 = arith.mulf %concatenate3A_244, %div3A_385 : vector<32x128xf32>
    %sub3A_389 = arith.subf %concatenate3A_238, %reduce_sum3A_193 : vector<32x128xf32>
    %sub3A_390 = arith.subf %concatenate3A_241, %reduce_sum3A_198 : vector<32x128xf32>
    %sub3A_391 = arith.subf %concatenate3A_244, %reduce_sum3A_203 : vector<32x128xf32>
    %mul3A_392 = arith.mulf %sub3A_389, %sub3A_389 : vector<32x128xf32>
    %mul3A_393 = arith.mulf %sub3A_390, %sub3A_390 : vector<32x128xf32>
    %add3A_394 = arith.addf %mul3A_392, %mul3A_393 : vector<32x128xf32>
    %mul3A_395 = arith.mulf %sub3A_391, %sub3A_391 : vector<32x128xf32>
    %add3A_396 = arith.addf %add3A_394, %mul3A_395 : vector<32x128xf32>
    %sqrt3A_397 = math.sqrt %add3A_396 : vector<32x128xf32>
    %add3A_398 = arith.constant 1.000000e-07 : f32
    %add3A_399 = vector.broadcast %add3A_398 : f32 to vector<32x128xf32>
    %add3A_400 = arith.addf %sqrt3A_397, %add3A_399 : vector<32x128xf32>
    %div3A_401 = arith.constant 1.000000e+00 : f32
    %div3A_402 = vector.broadcast %div3A_401 : f32 to vector<32x128xf32>
    %div3A_403 = arith.divf %div3A_402, %add3A_400 : vector<32x128xf32>
    %mul3A_404 = arith.mulf %sub3A_389, %div3A_403 : vector<32x128xf32>
    %mul3A_405 = arith.mulf %sub3A_390, %div3A_403 : vector<32x128xf32>
    %mul3A_406 = arith.mulf %sub3A_391, %div3A_403 : vector<32x128xf32>
    %mul3A_407 = arith.mulf %mul3A_387, %mul3A_276 : vector<32x128xf32>
    %mul3A_408 = arith.mulf %mul3A_388, %mul3A_272 : vector<32x128xf32>
    %sub3A_409 = arith.subf %mul3A_407, %mul3A_408 : vector<32x128xf32>
    %mul3A_410 = arith.mulf %mul3A_388, %mul3A_268 : vector<32x128xf32>
    %mul3A_411 = arith.mulf %mul3A_386, %mul3A_276 : vector<32x128xf32>
    %sub3A_412 = arith.subf %mul3A_410, %mul3A_411 : vector<32x128xf32>
    %mul3A_413 = arith.mulf %mul3A_386, %mul3A_272 : vector<32x128xf32>
    %mul3A_414 = arith.mulf %mul3A_387, %mul3A_268 : vector<32x128xf32>
    %sub3A_415 = arith.subf %mul3A_413, %mul3A_414 : vector<32x128xf32>
    %mul3A_416 = arith.mulf %mul3A_312, %mul3A_276 : vector<32x128xf32>
    %mul3A_417 = arith.mulf %mul3A_316, %mul3A_272 : vector<32x128xf32>
    %sub3A_418 = arith.subf %mul3A_416, %mul3A_417 : vector<32x128xf32>
    %mul3A_419 = arith.mulf %mul3A_316, %mul3A_268 : vector<32x128xf32>
    %mul3A_420 = arith.mulf %mul3A_308, %mul3A_276 : vector<32x128xf32>
    %sub3A_421 = arith.subf %mul3A_419, %mul3A_420 : vector<32x128xf32>
    %mul3A_422 = arith.mulf %mul3A_308, %mul3A_272 : vector<32x128xf32>
    %mul3A_423 = arith.mulf %mul3A_312, %mul3A_268 : vector<32x128xf32>
    %sub3A_424 = arith.subf %mul3A_422, %mul3A_423 : vector<32x128xf32>
    %mul3A_425 = arith.mulf %mul3A_386, %mul3A_268 : vector<32x128xf32>
    %mul3A_426 = arith.mulf %mul3A_387, %mul3A_272 : vector<32x128xf32>
    %add3A_427 = arith.addf %mul3A_425, %mul3A_426 : vector<32x128xf32>
    %mul3A_428 = arith.mulf %mul3A_388, %mul3A_276 : vector<32x128xf32>
    %add3A_429 = arith.addf %add3A_427, %mul3A_428 : vector<32x128xf32>
    %neg3A_430 = arith.constant 0.000000e+00 : f32
    %neg3A_431 = vector.broadcast %neg3A_430 : f32 to vector<32x128xf32>
    %neg3A_432 = arith.subf %neg3A_431, %add3A_429 : vector<32x128xf32>
    %mul3A_433 = arith.mulf %mul3A_386, %mul3A_404 : vector<32x128xf32>
    %mul3A_434 = arith.mulf %mul3A_387, %mul3A_405 : vector<32x128xf32>
    %add3A_435 = arith.addf %mul3A_433, %mul3A_434 : vector<32x128xf32>
    %mul3A_436 = arith.mulf %mul3A_388, %mul3A_406 : vector<32x128xf32>
    %add3A_437 = arith.addf %add3A_435, %mul3A_436 : vector<32x128xf32>
    %mul3A_438 = arith.mulf %mul3A_404, %concatenate3A_247 : vector<32x128xf32>
    %mul3A_439 = arith.mulf %mul3A_405, %concatenate3A_250 : vector<32x128xf32>
    %add3A_440 = arith.addf %mul3A_438, %mul3A_439 : vector<32x128xf32>
    %mul3A_441 = arith.mulf %mul3A_406, %concatenate3A_253 : vector<32x128xf32>
    %add3A_442 = arith.addf %add3A_440, %mul3A_441 : vector<32x128xf32>
    %mul3A_443 = arith.mulf %mul3A_268, %concatenate3A_247 : vector<32x128xf32>
    %mul3A_444 = arith.mulf %mul3A_272, %concatenate3A_250 : vector<32x128xf32>
    %add3A_445 = arith.addf %mul3A_443, %mul3A_444 : vector<32x128xf32>
    %mul3A_446 = arith.mulf %mul3A_276, %concatenate3A_253 : vector<32x128xf32>
    %add3A_447 = arith.addf %add3A_445, %mul3A_446 : vector<32x128xf32>
    %neg3A_448 = arith.constant 0.000000e+00 : f32
    %neg3A_449 = vector.broadcast %neg3A_448 : f32 to vector<32x128xf32>
    %neg3A_450 = arith.subf %neg3A_449, %add3A_447 : vector<32x128xf32>
    %mul3A_451 = arith.mulf %sub3A_409, %sub3A_418 : vector<32x128xf32>
    %mul3A_452 = arith.mulf %sub3A_412, %sub3A_421 : vector<32x128xf32>
    %add3A_453 = arith.addf %mul3A_451, %mul3A_452 : vector<32x128xf32>
    %mul3A_454 = arith.mulf %sub3A_415, %sub3A_424 : vector<32x128xf32>
    %add3A_455 = arith.addf %add3A_453, %mul3A_454 : vector<32x128xf32>
    %neg3A_456 = arith.constant 0.000000e+00 : f32
    %neg3A_457 = vector.broadcast %neg3A_456 : f32 to vector<32x128xf32>
    %neg3A_458 = arith.subf %neg3A_457, %add3A_455 : vector<32x128xf32>
    %broadcast_in_dim3A_459 = arith.constant 1.000000e+00 : f32
    %broadcast_in_dim3A_460 = vector.broadcast %broadcast_in_dim3A_459 : f32 to vector<32x128xf32>
    %stack3A = vector.shape_cast %sqrt3A_259 : vector<32x128xf32> to vector<1x32x128xf32>
    %stack3A_461 = vector.shape_cast %neg3A_287 : vector<32x128xf32> to vector<1x32x128xf32>
    %stack3A_462 = vector.shape_cast %add3A_292 : vector<32x128xf32> to vector<1x32x128xf32>
    %stack3A_463 = vector.shape_cast %add3A_368 : vector<32x128xf32> to vector<1x32x128xf32>
    %stack3A_464 = vector.shape_cast %neg3A_327 : vector<32x128xf32> to vector<1x32x128xf32>
    %stack3A_465 = vector.shape_cast %add3A_332 : vector<32x128xf32> to vector<1x32x128xf32>
    %stack3A_466 = vector.shape_cast %add3A_373 : vector<32x128xf32> to vector<1x32x128xf32>
    %stack3A_467 = vector.shape_cast %neg3A_358 : vector<32x128xf32> to vector<1x32x128xf32>
    %stack3A_468 = vector.shape_cast %add3A_363 : vector<32x128xf32> to vector<1x32x128xf32>
    %stack3A_469 = vector.shape_cast %neg3A_432 : vector<32x128xf32> to vector<1x32x128xf32>
    %stack3A_470 = vector.shape_cast %add3A_437 : vector<32x128xf32> to vector<1x32x128xf32>
    %stack3A_471 = vector.shape_cast %add3A_442 : vector<32x128xf32> to vector<1x32x128xf32>
    %stack3A_472 = vector.shape_cast %neg3A_450 : vector<32x128xf32> to vector<1x32x128xf32>
    %stack3A_473 = vector.shape_cast %neg3A_458 : vector<32x128xf32> to vector<1x32x128xf32>
    %stack3A_474 = vector.shape_cast %broadcast_in_dim3A_460 : vector<32x128xf32> to vector<1x32x128xf32>
    %stack3A_475 = tpu.concatenate %stack3A, %stack3A_461, %stack3A_462, %stack3A_463, %stack3A_464, %stack3A_465, %stack3A_466, %stack3A_467, %stack3A_468, %stack3A_469, %stack3A_470, %stack3A_471, %stack3A_472, %stack3A_473, %stack3A_474 in 0 : vector<1x32x128xf32>, vector<1x32x128xf32>, vector<1x32x128xf32>, vector<1x32x128xf32>, vector<1x32x128xf32>, vector<1x32x128xf32>, vector<1x32x128xf32>, vector<1x32x128xf32>, vector<1x32x128xf32>, vector<1x32x128xf32>, vector<1x32x128xf32>, vector<1x32x128xf32>, vector<1x32x128xf32>, vector<1x32x128xf32>, vector<1x32x128xf32> -> vector<15x32x128xf32>
    %reshape3A = vector.shape_cast %stack3A_475 : vector<15x32x128xf32> to vector<15x4096xf32>
    %get3A_476 = arith.constant 0 : index
    %get3A_477 = arith.constant 0 : index
    %get3A_478 = vector.load %arg4[%get3A_476, %get3A_477] : memref<32x15xf32, #tpu.memory_space<vmem>>, vector<32x15xf32>
    %convert_element_type3A_479 = arith.truncf %get3A_478 : vector<32x15xf32> to vector<32x15xbf16>
    %convert_element_type3A_480 = arith.truncf %reshape3A : vector<15x4096xf32> to vector<15x4096xbf16>
    %dot_general3A = arith.constant dense<0.000000e+00> : vector<32x4096xf32>
    %dot_general3A_481 = tpu.matmul %convert_element_type3A_479, %convert_element_type3A_480, %dot_general3A {dimension_numbers = #tpu.dot_dimension_numbers<[1], [0], [0], [1], [0, 0, 1, 1], [], []>, transpose_lhs_hint = false} : vector<32x15xbf16>, vector<15x4096xbf16>, vector<32x4096xf32> -> vector<32x4096xf32>
    %max3A = arith.constant 0.000000e+00 : f32
    %max3A_482 = vector.broadcast %max3A : f32 to vector<32x4096xf32>
    %max3A_483 = arith.maximumf %dot_general3A_481, %max3A_482 : vector<32x4096xf32>
    %broadcast_in_dim3A_484 = arith.constant 1.000000e+00 : f32
    %broadcast_in_dim3A_485 = vector.broadcast %broadcast_in_dim3A_484 : f32 to vector<1x4096xf32>
    %concatenate3A_486 = tpu.concatenate %max3A_483, %broadcast_in_dim3A_485 in 0 : vector<32x4096xf32>, vector<1x4096xf32> -> vector<33x4096xf32>
    %get3A_487 = arith.constant 0 : index
    %get3A_488 = arith.constant 0 : index
    %get3A_489 = vector.load %arg5[%get3A_487, %get3A_488] : memref<64x33xf32, #tpu.memory_space<vmem>>, vector<64x33xf32>
    %convert_element_type3A_490 = arith.truncf %get3A_489 : vector<64x33xf32> to vector<64x33xbf16>
    %convert_element_type3A_491 = arith.truncf %concatenate3A_486 : vector<33x4096xf32> to vector<33x4096xbf16>
    %dot_general3A_492 = arith.constant dense<0.000000e+00> : vector<64x4096xf32>
    %dot_general3A_493 = tpu.matmul %convert_element_type3A_490, %convert_element_type3A_491, %dot_general3A_492 {dimension_numbers = #tpu.dot_dimension_numbers<[1], [0], [0], [1], [0, 0, 1, 1], [], []>, transpose_lhs_hint = false} : vector<64x33xbf16>, vector<33x4096xbf16>, vector<64x4096xf32> -> vector<64x4096xf32>
    %max3A_494 = arith.constant 0.000000e+00 : f32
    %max3A_495 = vector.broadcast %max3A_494 : f32 to vector<64x4096xf32>
    %max3A_496 = arith.maximumf %dot_general3A_493, %max3A_495 : vector<64x4096xf32>
    %slice3A_497 = vector.extract_strided_slice %max3A_496 {offsets = [0, 0], sizes = [64, 128], strides = [1, 1]} : vector<64x4096xf32> to vector<64x128xf32>
    %slice3A_498 = vector.extract_strided_slice %max3A_496 {offsets = [0, 128], sizes = [64, 128], strides = [1, 1]} : vector<64x4096xf32> to vector<64x128xf32>
    %max3A_499 = arith.maximumf %slice3A_497, %slice3A_498 : vector<64x128xf32>
    %slice3A_500 = vector.extract_strided_slice %max3A_496 {offsets = [0, 256], sizes = [64, 128], strides = [1, 1]} : vector<64x4096xf32> to vector<64x128xf32>
    %max3A_501 = arith.maximumf %max3A_499, %slice3A_500 : vector<64x128xf32>
    %slice3A_502 = vector.extract_strided_slice %max3A_496 {offsets = [0, 384], sizes = [64, 128], strides = [1, 1]} : vector<64x4096xf32> to vector<64x128xf32>
    %max3A_503 = arith.maximumf %max3A_501, %slice3A_502 : vector<64x128xf32>
    %slice3A_504 = vector.extract_strided_slice %max3A_496 {offsets = [0, 512], sizes = [64, 128], strides = [1, 1]} : vector<64x4096xf32> to vector<64x128xf32>
    %max3A_505 = arith.maximumf %max3A_503, %slice3A_504 : vector<64x128xf32>
    %slice3A_506 = vector.extract_strided_slice %max3A_496 {offsets = [0, 640], sizes = [64, 128], strides = [1, 1]} : vector<64x4096xf32> to vector<64x128xf32>
    %max3A_507 = arith.maximumf %max3A_505, %slice3A_506 : vector<64x128xf32>
    %slice3A_508 = vector.extract_strided_slice %max3A_496 {offsets = [0, 768], sizes = [64, 128], strides = [1, 1]} : vector<64x4096xf32> to vector<64x128xf32>
    %max3A_509 = arith.maximumf %max3A_507, %slice3A_508 : vector<64x128xf32>
    %slice3A_510 = vector.extract_strided_slice %max3A_496 {offsets = [0, 896], sizes = [64, 128], strides = [1, 1]} : vector<64x4096xf32> to vector<64x128xf32>
    %max3A_511 = arith.maximumf %max3A_509, %slice3A_510 : vector<64x128xf32>
    %slice3A_512 = vector.extract_strided_slice %max3A_496 {offsets = [0, 1024], sizes = [64, 128], strides = [1, 1]} : vector<64x4096xf32> to vector<64x128xf32>
    %max3A_513 = arith.maximumf %max3A_511, %slice3A_512 : vector<64x128xf32>
    %slice3A_514 = vector.extract_strided_slice %max3A_496 {offsets = [0, 1152], sizes = [64, 128], strides = [1, 1]} : vector<64x4096xf32> to vector<64x128xf32>
    %max3A_515 = arith.maximumf %max3A_513, %slice3A_514 : vector<64x128xf32>
    %slice3A_516 = vector.extract_strided_slice %max3A_496 {offsets = [0, 1280], sizes = [64, 128], strides = [1, 1]} : vector<64x4096xf32> to vector<64x128xf32>
    %max3A_517 = arith.maximumf %max3A_515, %slice3A_516 : vector<64x128xf32>
    %slice3A_518 = vector.extract_strided_slice %max3A_496 {offsets = [0, 1408], sizes = [64, 128], strides = [1, 1]} : vector<64x4096xf32> to vector<64x128xf32>
    %max3A_519 = arith.maximumf %max3A_517, %slice3A_518 : vector<64x128xf32>
    %slice3A_520 = vector.extract_strided_slice %max3A_496 {offsets = [0, 1536], sizes = [64, 128], strides = [1, 1]} : vector<64x4096xf32> to vector<64x128xf32>
    %max3A_521 = arith.maximumf %max3A_519, %slice3A_520 : vector<64x128xf32>
    %slice3A_522 = vector.extract_strided_slice %max3A_496 {offsets = [0, 1664], sizes = [64, 128], strides = [1, 1]} : vector<64x4096xf32> to vector<64x128xf32>
    %max3A_523 = arith.maximumf %max3A_521, %slice3A_522 : vector<64x128xf32>
    %slice3A_524 = vector.extract_strided_slice %max3A_496 {offsets = [0, 1792], sizes = [64, 128], strides = [1, 1]} : vector<64x4096xf32> to vector<64x128xf32>
    %max3A_525 = arith.maximumf %max3A_523, %slice3A_524 : vector<64x128xf32>
    %slice3A_526 = vector.extract_strided_slice %max3A_496 {offsets = [0, 1920], sizes = [64, 128], strides = [1, 1]} : vector<64x4096xf32> to vector<64x128xf32>
    %max3A_527 = arith.maximumf %max3A_525, %slice3A_526 : vector<64x128xf32>
    %slice3A_528 = vector.extract_strided_slice %max3A_496 {offsets = [0, 2048], sizes = [64, 128], strides = [1, 1]} : vector<64x4096xf32> to vector<64x128xf32>
    %max3A_529 = arith.maximumf %max3A_527, %slice3A_528 : vector<64x128xf32>
    %slice3A_530 = vector.extract_strided_slice %max3A_496 {offsets = [0, 2176], sizes = [64, 128], strides = [1, 1]} : vector<64x4096xf32> to vector<64x128xf32>
    %max3A_531 = arith.maximumf %max3A_529, %slice3A_530 : vector<64x128xf32>
    %slice3A_532 = vector.extract_strided_slice %max3A_496 {offsets = [0, 2304], sizes = [64, 128], strides = [1, 1]} : vector<64x4096xf32> to vector<64x128xf32>
    %max3A_533 = arith.maximumf %max3A_531, %slice3A_532 : vector<64x128xf32>
    %slice3A_534 = vector.extract_strided_slice %max3A_496 {offsets = [0, 2432], sizes = [64, 128], strides = [1, 1]} : vector<64x4096xf32> to vector<64x128xf32>
    %max3A_535 = arith.maximumf %max3A_533, %slice3A_534 : vector<64x128xf32>
    %slice3A_536 = vector.extract_strided_slice %max3A_496 {offsets = [0, 2560], sizes = [64, 128], strides = [1, 1]} : vector<64x4096xf32> to vector<64x128xf32>
    %max3A_537 = arith.maximumf %max3A_535, %slice3A_536 : vector<64x128xf32>
    %slice3A_538 = vector.extract_strided_slice %max3A_496 {offsets = [0, 2688], sizes = [64, 128], strides = [1, 1]} : vector<64x4096xf32> to vector<64x128xf32>
    %max3A_539 = arith.maximumf %max3A_537, %slice3A_538 : vector<64x128xf32>
    %slice3A_540 = vector.extract_strided_slice %max3A_496 {offsets = [0, 2816], sizes = [64, 128], strides = [1, 1]} : vector<64x4096xf32> to vector<64x128xf32>
    %max3A_541 = arith.maximumf %max3A_539, %slice3A_540 : vector<64x128xf32>
    %slice3A_542 = vector.extract_strided_slice %max3A_496 {offsets = [0, 2944], sizes = [64, 128], strides = [1, 1]} : vector<64x4096xf32> to vector<64x128xf32>
    %max3A_543 = arith.maximumf %max3A_541, %slice3A_542 : vector<64x128xf32>
    %slice3A_544 = vector.extract_strided_slice %max3A_496 {offsets = [0, 3072], sizes = [64, 128], strides = [1, 1]} : vector<64x4096xf32> to vector<64x128xf32>
    %max3A_545 = arith.maximumf %max3A_543, %slice3A_544 : vector<64x128xf32>
    %slice3A_546 = vector.extract_strided_slice %max3A_496 {offsets = [0, 3200], sizes = [64, 128], strides = [1, 1]} : vector<64x4096xf32> to vector<64x128xf32>
    %max3A_547 = arith.maximumf %max3A_545, %slice3A_546 : vector<64x128xf32>
    %slice3A_548 = vector.extract_strided_slice %max3A_496 {offsets = [0, 3328], sizes = [64, 128], strides = [1, 1]} : vector<64x4096xf32> to vector<64x128xf32>
    %max3A_549 = arith.maximumf %max3A_547, %slice3A_548 : vector<64x128xf32>
    %slice3A_550 = vector.extract_strided_slice %max3A_496 {offsets = [0, 3456], sizes = [64, 128], strides = [1, 1]} : vector<64x4096xf32> to vector<64x128xf32>
    %max3A_551 = arith.maximumf %max3A_549, %slice3A_550 : vector<64x128xf32>
    %slice3A_552 = vector.extract_strided_slice %max3A_496 {offsets = [0, 3584], sizes = [64, 128], strides = [1, 1]} : vector<64x4096xf32> to vector<64x128xf32>
    %max3A_553 = arith.maximumf %max3A_551, %slice3A_552 : vector<64x128xf32>
    %slice3A_554 = vector.extract_strided_slice %max3A_496 {offsets = [0, 3712], sizes = [64, 128], strides = [1, 1]} : vector<64x4096xf32> to vector<64x128xf32>
    %max3A_555 = arith.maximumf %max3A_553, %slice3A_554 : vector<64x128xf32>
    %slice3A_556 = vector.extract_strided_slice %max3A_496 {offsets = [0, 3840], sizes = [64, 128], strides = [1, 1]} : vector<64x4096xf32> to vector<64x128xf32>
    %max3A_557 = arith.maximumf %max3A_555, %slice3A_556 : vector<64x128xf32>
    %slice3A_558 = vector.extract_strided_slice %max3A_496 {offsets = [0, 3968], sizes = [64, 128], strides = [1, 1]} : vector<64x4096xf32> to vector<64x128xf32>
    %max3A_559 = arith.maximumf %max3A_557, %slice3A_558 : vector<64x128xf32>
    %swap3A = arith.constant 0 : index
    %swap3A_560 = arith.constant 0 : index
    %swap3A_561 = arith.constant 0 : index
    %swap3A_562 = vector.load %arg6[%swap3A, %swap3A_560, %swap3A_561] : memref<1x64x128xf32, #tpu.memory_space<vmem>>, vector<1x64x128xf32>
    %swap3A_563 = vector.shape_cast %swap3A_562 : vector<1x64x128xf32> to vector<64x128xf32>
    %swap3A_564 = vector.shape_cast %max3A_559 : vector<64x128xf32> to vector<1x64x128xf32>
    tpu.vector_store %arg6[%swap3A, %swap3A_560, %swap3A_561], %swap3A_564 {strides = array<i32>} : memref<1x64x128xf32, #tpu.memory_space<vmem>>, vector<1x64x128xf32>,
    return
  }
  func.func @transform_0(%arg0: i32, %arg1: i32) -> (i32, i32, i32, i32) {
    %c0_i32 = arith.constant 0 : i32
    %c0_i32_0 = arith.constant 0 : i32
    %c0_i32_1 = arith.constant 0 : i32
    return %arg0, %c0_i32, %c0_i32_0, %arg1 : i32, i32, i32, i32
  }
  func.func @transform_1(%arg0: i32, %arg1: i32) -> (i32, i32, i32) {
    %c0_i32 = arith.constant 0 : i32
    %c0_i32_0 = arith.constant 0 : i32
    return %arg0, %c0_i32, %arg1 : i32, i32, i32
  }
  func.func @transform_2(%arg0: i32, %arg1: i32) -> (i32, i32) {
    %c0_i32 = arith.constant 0 : i32
    %c0_i32_0 = arith.constant 0 : i32
    %c0_i32_1 = arith.constant 0 : i32
    return %c0_i32, %c0_i32_0 : i32, i32
  }
  func.func @transform_3(%arg0: i32, %arg1: i32) -> (i32, i32) {
    %c0_i32 = arith.constant 0 : i32
    %c0_i32_0 = arith.constant 0 : i32
    %c0_i32_1 = arith.constant 0 : i32
    return %c0_i32, %c0_i32_0 : i32, i32
  }
  func.func @transform_4(%arg0: i32, %arg1: i32) -> (i32, i32, i32) {
    %c0_i32 = arith.constant 0 : i32
    %c0_i32_0 = arith.constant 0 : i32
    return %arg0, %c0_i32, %arg1 : i32, i32, i32
  }
}

</mosaic_0001>

<sc_bundles>
// kernel: kernel.4.cloned.1.call-start
scs
__scs_entry_jumppad:
0x0: {  	(pc) =	sbr.rel $0x88, $3  }
0x1: {  	(tag) =	ssettag $0x0;
	lr =	simm.s32 $0x1  }
0x2: {  	[smem:$0x3F99] =	sst lr;
	_ =	strace $0xD0000000  }
0x3: {  	_ = 	snop  }
0x4: {  	_ = 	snop  }
0x5: {  	_ = 	snop  }
0x6: {  	_ = 	snop  }
0x7: {  	_ = 	snop  }
__scs_overlays_trampoline_lowered:
0x8: {  	[smem:$0x3FA8] =	sst s0  }
0x9: {  	[smem:$0x3FA9] =	sst s1  }
0xa: {  	[smem:$0x3FAA] =	sst s2  }
0xb: {  	[smem:$0x3FAB] =	sst s3  }
0xc: {  	[smem:$0x3FAC] =	sst s4  }
0xd: {  	[smem:$0x3FAD] =	sst s5  }
0xe: {  	[smem:$0x3FAE] =	sst s6  }
0xf: {  	[smem:$0x3FAF] =	sst s7  }
0x10: {  	[smem:$0x3FB0] =	sst s8  }
0x11: {  	[smem:$0x3FB1] =	sst s9;
	s0 =	simm.s32 @!p0 $0x0  }
0x12: {  	s1 =	sld [smem:$0x3F97];
	s0 =	simm.s32 @p0 $0x1  }
0x13: {  	[smem:$0x3FB2] =	sst s0;
	s0 =	simm.s32 @!p1 $0x0  }
0x14: {  	s2 =	sld [smem:$0x3F96];
	s0 =	simm.s32 @p1 $0x1  }
0x15: {  	[smem:$0x3FB3] =	sst s0;
	s0 =	simm.s32 @!p2 $0x0  }
0x16: {  	s3 =	sld [smem:$0x3FDB];
	s0 =	simm.s32 @p2 $0x1  }
0x17: {  	s4 =	simm.s32 $0x1BF5;
	[smem:$0x3FB5] =	sst s0  }
0x18: {  	s0 =	sld [smem:$0x3F98];
	_ =	swait.ge [sflag:s4], $0x0  }
0x19: {  	s7 =	sld [smem:$0x3F99]  }
0x1a: {  	s8 =	sadd.s32 $0xFFFFE003, lr  }
0x1b: {  	s9 =	sadd.s32 $0xFFFFFEF7, lr;
	s5 =	simm.s32 $0xFFFFFFFF;
	p2 =	slt.u32 s8, $0xFFFFF086  }
0x1c: {  	p1 =	slt.u32 s9, $0xF7A;
	s5 =	simm.s32 @!p2 $0x0  }
0x1d: {  	s5 =	simm.s32 @p1 $0x1;
	p0 =	seq.s32 s7, s2  }
0x1e: {  	s7 =	smul.u32 @!p0 $0xF7A, s2;
	p2 =	seq.s32 @!p0 s5, $0x0  }
0x1f: {  	s9 =	smul.u32 $0xF7A, s1;
	s8 =	simm.s32 @!p0 $0x1BF5;
	p2 =	por !p2, p0  }
0x20: {  	[sflag:s8] =	ssyncset.s32 @!p0 $0xFFFFF086;
	s6 =	sadd.s32 @!p0 s3, s7;
	s7 =	simm.s32 @!p0 $0x108  }
0x21: {  	s3 =	sadd.s32 s3, s9;
	s6 =	sadd.s32 @!p0 $0x88, s6;
	s7 =	simm.s32 @p2 $0x1082  }
0x22: {  	[simem:s7], [sflag:s8] =	dma.local @!p0 [hbm:s6], $0xF7A  }
0x23: {  	s9 =	sor.u32 $0xD0000000, s2;
	s6 =	simm.s32 $0x108;
	_ =	swait.ge @!p0 [sflag:s8], $0x0  }
0x24: {  	s3 =	sadd.s32 $0x88, s3;
	s6 =	simm.s32 @!p1 $0x1082;
	[sflag:s4] =	ssyncset.s32 $0xFFFFF086  }
0x25: {  	[simem:s6], [sflag:s4] =	dma.local [hbm:s3], $0xF7A  }
0x26: {  	[smem:$0x3F99] =	sst s1;
	(tag) =	ssettag s2;
	_ =	strace s9  }
0x27: {  	s1 =	sld [smem:$0x3FA9]  }
0x28: {  	s2 =	sld [smem:$0x3FAA]  }
0x29: {  	s4 =	sld [smem:$0x3FAC]  }
0x2a: {  	p0 =	seq.s32 s5, $0x0;
	s5 =	sld [smem:$0x3FAD]  }
0x2b: {  	s6 =	sld [smem:$0x3FAE]  }
0x2c: {  	s7 =	sld [smem:$0x3FAF]  }
0x2d: {  	s3 =	simm.s32 $0x108;
	s8 =	sld [smem:$0x3FB0]  }
0x2e: {  	s3 =	simm.s32 @!p0 $0x1082;
	s9 =	sld [smem:$0x3FB1]  }
0x2f: {  	lr =	sadd.s32 s0, s3;
	s0 =	sld [smem:$0x3FA8]  }
0x30: {  	s3 =	sld [smem:$0x3FAB]  }
0x31: {  	[smem:$0x3FB4] =	sst s10  }
0x32: {  	s10 =	sld [smem:$0x3FB2];
	_ =	sdelay $0x3  }
0x33: {  	p0 =	seq.s32 s10, $0x1;
	s10 =	sld [smem:$0x3FB4];
	_ =	sdelay $0x3  }
0x34: {  	[smem:$0x3FB4] =	sst s10  }
0x35: {  	s10 =	sld [smem:$0x3FB3];
	_ =	sdelay $0x3  }
0x36: {  	p1 =	seq.s32 s10, $0x1;
	s10 =	sld [smem:$0x3FB4];
	_ =	sdelay $0x3  }
0x37: {  	[smem:$0x3FB4] =	sst s10  }
0x38: {  	s10 =	sld [smem:$0x3FB5]  }
0x39: {  	_ = 	snop;
	(pc) =	sbr.ind lr, $3  }
0x3a: {  	_ = 	snop  }
0x3b: {  	_ = 	snop  }
0x3c: {  	p2 =	seq.s32 s10, $0x1;
	s10 =	sld [smem:$0x3FB4]  }
0x3d: {  	_ =	shalt  }
0x3e: {  	_ =	shalt  }
0x3f: {  	_ =	shalt  }
0x40: {  	_ =	shalt  }
0x41: {  	_ =	shalt  }
0x42: {  	_ =	shalt  }
0x43: {  	_ =	shalt  }
0x44: {  	_ =	shalt  }
0x45: {  	_ =	shalt  }
0x46: {  	_ =	shalt  }
0x47: {  	_ =	shalt  }
0x48: {  	_ =	shalt  }
0x49: {  	_ =	shalt  }
0x4a: {  	_ =	shalt  }
0x4b: {  	_ =	shalt  }
0x4c: {  	_ =	shalt  }
0x4d: {  	_ =	shalt  }
0x4e: {  	_ =	shalt  }
0x4f: {  	_ =	shalt  }
0x50: {  	_ =	shalt  }
0x51: {  	_ =	shalt  }
0x52: {  	_ =	shalt  }
0x53: {  	_ =	shalt  }
0x54: {  	_ =	shalt  }
0x55: {  	_ =	shalt  }
0x56: {  	_ =	shalt  }
0x57: {  	_ =	shalt  }
0x58: {  	_ =	shalt  }
0x59: {  	_ =	shalt  }
0x5a: {  	_ =	shalt  }
0x5b: {  	_ =	shalt  }
0x5c: {  	_ =	shalt  }
0x5d: {  	_ =	shalt  }
0x5e: {  	_ =	shalt  }
0x5f: {  	_ =	shalt  }
0x60: {  	_ =	shalt  }
0x61: {  	_ =	shalt  }
0x62: {  	_ =	shalt  }
0x63: {  	_ =	shalt  }
0x64: {  	_ =	shalt  }
0x65: {  	_ =	shalt  }
0x66: {  	_ =	shalt  }
0x67: {  	_ =	shalt  }
0x68: {  	_ =	shalt  }
0x69: {  	_ =	shalt  }
0x6a: {  	_ =	shalt  }
0x6b: {  	_ =	shalt  }
0x6c: {  	_ =	shalt  }
0x6d: {  	_ =	shalt  }
0x6e: {  	_ =	shalt  }
0x6f: {  	_ =	shalt  }
0x70: {  	_ =	shalt  }
0x71: {  	_ =	shalt  }
0x72: {  	_ =	shalt  }
0x73: {  	_ =	shalt  }
0x74: {  	_ =	shalt  }
0x75: {  	_ =	shalt  }
0x76: {  	_ =	shalt  }
0x77: {  	_ =	shalt  }
0x78: {  	_ =	shalt  }
0x79: {  	_ =	shalt  }
0x7a: {  	_ =	shalt  }
0x7b: {  	_ =	shalt  }
0x7c: {  	_ =	shalt  }
0x7d: {  	_ =	shalt  }
0x7e: {  	_ =	shalt  }
0x7f: {  	_ =	shalt  }
0x80: {  	_ =	shalt  }
0x81: {  	_ =	shalt  }
0x82: {  	_ =	shalt  }
0x83: {  	_ =	shalt  }
0x84: {  	_ =	shalt  }
0x85: {  	_ =	shalt  }
0x86: {  	_ =	shalt  }
0x87: {  	_ =	shalt  }
.Lfunc_end0:
.L_simem_size_0:
called_computation.1_lowered:
.L_overlay_start_0:
0x88: {  	s2 =	sld [smem:$0x3FD9]  }
0x89: {  	s3 =	sld [smem:$0x3FFE];
	_ =	sdelay $0x1  }
0x8a: {  	s1 =	srdreg.scid  }
0x8b: {  	s0 =	sand.u32 $0x1, s1  }
0x8c: {  	s14 =	sshll.u32 s0, $0xA;
	s2 =	sadd.s32 s3, s2  }
0x8d: {  	s2 =	sadd.s32 s2, s14  }
0x8e: {  	[smem:$0x3FC0] =	sst s2  }
0x8f: {  	_ = 	snop  }
0x90: {  	s2 =	sld [smem:$0x3FD0];
	_ =	sdelay $0x2  }
0x91: {  	s15 =	simm.s32 $0xA;
	s4 =	simm.s32 $0x10  }
0x92: {  	[smem:s4], [sflag:s15] =	dma.local [hbm:s2], $0x1  }
0x93: {  	_ =	swait.eq [sflag:s15], $0x1  }
0x94: {  	[sflag:s15] =	ssyncset.done $0x0  }
0x95: {  	[sflag:s15] =	ssyncadd.s32 $0xFFFFFFFF  }
0x96: {  	s16 =	sld [smem:$0x12];
	(tm) =	ssettm $0x1  }
0x97: {  	s17 =	sld [smem:$0x3FFB];
	_ =	sdelay $0x3  }
0x98: {  	_ =	strace s17  }
0x99: {  	s3 =	sld [smem:$0x3FFC];
	_ =	sdelay $0x3  }
0x9a: {  	_ =	strace s3  }
0x9b: {  	s3 =	sld [smem:$0x3FFD];
	_ =	sdelay $0x3  }
0x9c: {  	_ =	strace s3  }
0x9d: {  	_ =	strace $0x8FFFFFFF  }
0x9e: {  	s18 =	sld [smem:$0x3FDB];
	_ =	sdelay $0x1  }
0x9f: {  	s19 =	simm.s32 $_scs_section_size  }
0xa0: {  	s5 =	simm.s32 $_size__tile_overlayer_lowered;
	s6 =	simm.s32 $_tile_overlayer_lowered  }
0xa1: {  	s22 =	simm.s32 $0x1BFF;
	s21 =	sshll.u32 s6, $0x1;
	s3 =	sadd.s32 s19, s18  }
0xa2: {  	s7 =	simm.s32 $0x0;
	s20 =	sshll.u32 s5, $0x1;
	s5 =	sadd.s32 s21, s3  }
0xa3: {  	[timem:s7], [sflag:s22] =	dma.local [hbm:s5], s20  }
0xa4: {  	_ =	swait.ge [sflag:s22], s20  }
0xa5: {  	s4 =	ssub.s32 $0x0, s20;
	[sflag:s22] =	ssyncset.done $0x0  }
0xa6: {  	[sflag:s22] =	ssyncadd.s32 s4;
	_ =	sdelay $0x1  }
0xa7: {  	s23 =	simm.s32 $0x1B8B  }
0xa8: {  	_ =	swait.ge [sflag:s23], $0x1  }
0xa9: {  	[sflag:s23] =	ssyncset.done $0x0  }
0xaa: {  	s25 =	simm.s32 $0x1B8E;
	s24 =	sld [smem:$0x3FFE];
	[sflag:s23] =	ssyncadd.s32 $0xFFFFFFFF  }
0xab: {  	s26 =	simm.s32 $execute0_lowered;
	[smem:$0x3FD2] =	sst s25  }
0xac: {  	s5 =	sshll.u32 s26, $0x1;
	_ =	strace $0x80000046;
	[dreg:$0x1] =	wrdreg $0xFFFFFFFF  }
0xad: {  	s28 =	simm.s32 $_size_execute0_lowered;
	s3 =	sadd.s32 s3, s5;
	[dreg:$0x0] =	wrdreg $0x0  }
0xae: {  	s5 =	sshll.u32 s28, $0x1;
	[dreg:$0x2] =	wrdreg s3  }
0xaf: {  	[dreg:$0x3] =	wrdreg s5  }
0xb0: {  	[dreg:$0x4] =	wrdreg $0xC0  }
0xb1: {  	_ =	task [dreg:s7], $0x5FFFF  }
0xb2: {  	[dreg:$0x1] =	wrdreg $0xFFFFFFFF  }
0xb3: {  	[dreg:$0x0] =	wrdreg $0x60  }
0xb4: {  	[dreg:$0x2] =	wrdreg s24  }
0xb5: {  	[dreg:$0x3] =	wrdreg s16  }
0xb6: {  	[dreg:$0x4] =	wrdreg $0x9  }
0xb7: {  	_ =	task.clear_ibuf [dreg:s7], $0x5FFFF;
	_ =	strace $0x90000046  }
0xb8: {  	s29 =	simm.s32 $0x9;
	_ =	strace $0x80000048  }
0xb9: {  	_ =	swait.ge [sflag:s29], $0x1  }
0xba: {  	[sflag:s29] =	ssyncadd.s32 $0xFFFFFFFF  }
0xbb: {  	_ =	strace $0x90000048  }
0xbc: {  	_ =	sfence  }
0xbd: {  	s30 =	sld [smem:$0x0];
	_ =	sdelay $0x2  }
0xbe: {  	s31 =	sshll.u32 s1, $0xD;
	s1 =	sshrl.u32 s1, $0x2  }
0xbf: {  	s3 =	sand.u32 $0x4000, s31;
	s1 =	sadd.s32 s1, s30  }
0xc0: {  	s0 =	sor.u32 s3, s0;
	s1 =	sshll.u32 s1, $0x11  }
0xc1: {  	s0 =	sor.u32 s1, s0  }
0xc2: {  	s0 =	sadd.s32 $0x8F2B, s0  }
0xc3: {  	[sflag:s0] =	ssyncadd.remote.s32 $0x1  }
0xc4: {  	_ =	sfence.sel $0xFFFF  }
0xc5: {  	[dreg:$0x0] =	wrdreg $0xFFFFFFFF;
	(pc) =	sbr.abs _section_cstart, $3  }
0xc6: {  	[dreg:$0x1] =	wrdreg $0xFFFFFFFF  }
0xc7: {  	_ =	task.clear_ibuf [dreg:s7], $0x2FFFF;
	_ =	strace $0x9FFFFFFF  }
0xc8: {  	(tm) =	ssettm $0x7FFFFFFF  }
0xc9: {  	_ =	shalt  }
tec
execute0_lowered:
.L_overlay_start_1:
0x0: {  	(tag) =	ssettag $0x1  }
0x1: {  	s4 =	rddreg [dreg:$0x0];
	s1 =	srdreg.scid  }
0x2: {  	s0 =	stileid.u32;
	s5 =	rddreg [dreg:$0x1];
	s2 =	simm.s32 $0x0  }
0x3: {  	s13 =	simm.s32 $0x0;
	s6 =	sand.u32 $0x1, s1;
	s1 =	rddreg [dreg:$0x2]  }
0x4: {  	s3 =	sshll.u32 s0, $0x1;
	[smem:$0x7FF] =	sst s2;
	s11 =	smul.u32 $0x10800, s0  }
0x5: {  	s12 =	sadd.s32 $0x41C00, s4;
	s3 =	sor.u32 s6, s3;
	s29 =	smul.u32 $0x8400, s6  }
0x6: {  	_ =	strace $0x80000047;
	s8 =	ssub.s32 $0x2, s6;
	s7 =	smul.u32 $0x840, s3  }
0x7: {  	s9 =	smul.u32 $0x8400, s3;
	s3 =	sadd.s32 $0x1C00, s4;
	s10 =	sshrl.u32 s8, $0x1  }
0x8: {  	s31 =	sadd.s32 s11, s12;
	s11 =	simm.s32 $0x2;
	s8 =	ssub.s32 s8, s10  }
0x9: {  	s10 =	simm.s32 $0x80;
	s4 =	sadd.s32 s5, s7;
	s30 =	sadd.s32 s12, s9  }
0xa: {  	s5 =	smax.u32 s8, $0x1;
	s7 =	sadd.s32 s29, s31;
	s8 =	simm.s32 $0x3  }
0xb: {  	s9 =	simm.s32 $0x4200;
	s12 =	simm.s32 $0x4A00;
	s6 =	sadd.s32 $0x8300, s30  }
.LBB2_1:
0xc: {  	[tilespmem:s2], [sflag:$0x3] =	stream.linear.gather [hbm4b:s4+s2], $0x4200, $0x38;
	[tilespmem:$0x5200] =	vst v63  }
0xd: {  	s14 =	simm.s32 $0x1;
	_ =	swait.ge [sflag:s8], $0x4200  }
0xe: {  	s15 =	simm.s32 $0x0;
	s14 =	sand.u32 $0x1, s14;
	[sflag:s8] =	ssyncset.done $0x0  }
0xf: {  	s15 =	sand.u32 $0x1, s15;
	s16 =	sshll.u32 s14, $0xB;
	[sflag:s8] =	ssyncadd.s32 $0xFFFFBE00  }
0x10: {  	[tilespmem:s9], [sflag:$0x1] =	stream.indirect.gather [hbm4b:s3+s10], $0x10, s2, s10, $0xb8;
	[tilespmem:$0x5200] =	vst v63  }
0x11: {  	s14 =	sadd.s32 $0x1, s14;
	s17 =	sadd.s32 $0x1, s15;
	s16 =	sor.u32 $0x4200, s16  }
0x12: {  	[tilespmem:s16], [sflag:s14] =	stream.indirect.gather [hbm4b:s3+s10], $0x10, s10, s10, $0xb8;
	[tilespmem:$0x5200] =	vst v63  }
0x13: {  	s31 =	sshll.u32 s15, $0xB;
	_ =	swait.ge [sflag:s17], $0x800  }
0x14: {  	s15 =	simm.s32 $0x100;
	s16 =	simm.s32 $0x2;
	[sflag:s17] =	ssyncset.done $0x0  }
0x15: {  	s14 =	sor.u32 $0x4200, s31;
	s18 =	sand.u32 $0x1, s16;
	[sflag:s17] =	ssyncadd.s32 $0xFFFFF800  }
0x16: {  	[hbm4b:s7+s2] =	stream.linear.scatter [tilespmem:s14], [sflag:$0x3], $0x800, $0x38;
	[tilespmem:$0x5200] =	vst v63  }
0x17: {  	s17 =	simm.s32 $0x3;
	s14 =	sadd.s32 $0x100, s7;
	_ =	swait.ge [sflag:s8], $0x800  }
.LBB2_2:
0x18: {  	s19 =	sadd.s32 $0xFFFFFFFF, s16;
	s20 =	sshll.u32 s18, $0xB  }
0x19: {  	[sflag:s8] =	ssyncset.done $0x0;
	s16 =	smov.u32 s17;
	s18 =	sadd.s32 $0x1, s18  }
0x1a: {  	p0 =	sne.s32 s17, $0x83;
	s19 =	sand.u32 $0x1, s19;
	s20 =	sor.u32 $0x4200, s20  }
0x1b: {  	s21 =	sadd.s32 $0x1, s19;
	s19 =	sshll.u32 s19, $0xB;
	[sflag:s8] =	ssyncadd.s32 $0xFFFFF800  }
0x1c: {  	[tilespmem:s20], [sflag:s18] =	stream.indirect.gather [hbm4b:s3+s10], $0x10, s15, s10, $0xb8;
	[tilespmem:$0x5200] =	vst v63  }
.Ltmp0:
0x1d: {  	s20 =	sadd.s32 $0x1, s17;
	_ =	swait.ge [sflag:s21], $0x800;
	(pc) =	sbr.rel @p0 .LBB2_2-.Ltmp0, $4  }
0x1e: {  	s17 =	sor.u32 $0x4200, s19;
	[sflag:s21] =	ssyncset.done $0x0  }
0x1f: {  	s15 =	sadd.s32 $0x80, s15;
	s18 =	sand.u32 $0x1, s16;
	[sflag:s21] =	ssyncadd.s32 $0xFFFFF800  }
0x20: {  	[hbm4b:s14+s2] =	stream.linear.scatter [tilespmem:s17], [sflag:$0x3], $0x800, $0x38;
	[tilespmem:$0x5200] =	vst v63  }
0x21: {  	s14 =	sadd.s32 $0x100, s14;
	s17 =	smov.u32 s20;
	_ =	swait.ge [sflag:s8], $0x800  }
0x22: {  	s16 =	sadd.s32 $0xFFFFFFFF, s16;
	s17 =	sshll.u32 s18, $0xB  }
0x23: {  	[sflag:s8] =	ssyncset.done $0x0;
	s30 =	sadd.s32 $0x1, s18;
	s16 =	sand.u32 $0x1, s16  }
0x24: {  	s17 =	sor.u32 $0x4200, s17;
	[sflag:s8] =	ssyncadd.s32 $0xFFFFF800;
	s19 =	sadd.s32 $0x1, s16  }
0x25: {  	[tilespmem:s17], [sflag:s30] =	stream.indirect.gather [hbm4b:s3+s10], $0x10, s15, s10, $0xb8;
	[tilespmem:$0x5200] =	vst v63  }
0x26: {  	_ =	swait.ge [sflag:s19], $0x800  }
0x27: {  	s31 =	sshll.u32 s16, $0xB;
	[sflag:s19] =	ssyncset.done $0x0  }
0x28: {  	s15 =	sor.u32 $0x4200, s31;
	[sflag:s19] =	ssyncadd.s32 $0xFFFFF800  }
0x29: {  	[hbm4b:s14+s2] =	stream.linear.scatter [tilespmem:s15], [sflag:$0x3], $0x800, $0x38;
	[tilespmem:$0x5200] =	vst v63  }
0x2a: {  	_ =	swait.ge [sflag:s8], $0x800  }
0x2b: {  	[sflag:s8] =	ssyncset.done $0x0  }
0x2c: {  	[sflag:s8] =	ssyncadd.s32 $0xFFFFF800  }
0x2d: {  	s13 =	sadd.s32 $0x1, s13;
	_ =	swait.ge [sflag:s11], $0x800  }
0x2e: {  	p0 =	sne.s32 s13, s5;
	[sflag:s11] =	ssyncset.done $0x0  }
.Ltmp1:
0x2f: {  	[sflag:s11] =	ssyncadd.s32 $0xFFFFF800;
	(pc) =	sbr.rel @p0 .LBB2_1-.Ltmp1, $4  }
0x30: {  	[hbm4b:s6+s2] =	stream.linear.scatter [tilespmem:s12], [sflag:$0x3], $0x800, $0x38;
	[tilespmem:$0x5200] =	vst v63  }
0x31: {  	_ =	swait.ge [sflag:s8], $0x800  }
0x32: {  	[sflag:s8] =	ssyncset.done $0x0  }
0x33: {  	[sflag:s8] =	ssyncadd.s32 $0xFFFFF800  }
0x34: {  	_ =	sfence.sel $0x180000  }
0x35: {  	[bflag:$0x0] =	sbarrier.arrive $0xFFFF  }
0x36: {  	p0 =	sne.s32 s0, $0x0;
	_ =	strace $0x90000047  }
0x37: {  	s0 =	sadd.s32 @!p0 $0x100000, s1;
	[bflag:$0x2] =	sbarrier.arrive $0xFFFF  }
0x38: {  	[sflag:s0] =	ssyncadd.tile.s32 @!p0 $0x1;
	_ =	shalt  }
.Lfunc_end2:
_tile_overlayer_lowered:
.L_overlay_start_2:
0x39: {  	(tag) =	ssettag $0x2  }
0x3a: {  	s0 =	rddreg [dreg:$0x0];
	s2 =	stileid.u32  }
0x3b: {  	s1 =	rddreg [dreg:$0x1];
	p0 =	sne.s32 s2, $0x0  }
0x3c: {  	s3 =	rddreg [dreg:$0x2];
	[bflag:$0x3] =	sbarrier.arrive $0xFFFF;
	s2 =	simm.s32 @!p0 $0x1C03  }
0x3d: {  	[timem:s3], [sflag:s2] =	dma.local @!p0 [hbm:s0], s1  }
0x3e: {  	s0 =	simm.s32 @!p0 $0x3  }
0x3f: {  	_ =	swait.ge @!p0 [sflag:s0], s1  }
0x40: {  	s1 =	ssub.s32 @!p0 $0x0, s1;
	[sflag:s0] =	ssyncset.done @!p0 $0x0  }
0x41: {  	[sflag:s0] =	ssyncadd.s32 @!p0 s1  }
0x42: {  	[bflag:$0x3] =	sbarrier.arrive $0xFFFF  }
0x43: {  	_ =	shalt  }

// kernel: sparse-core-data-format-call.cloned.1.call-start
scs
called_computation_lowered:
.L_overlay_start_0:
0x0: {  	s1 =	sld [smem:$0x3FD9]  }
0x1: {  	s2 =	sld [smem:$0x3FFE];
	_ =	sdelay $0x1  }
0x2: {  	s3 =	srdreg.scid  }
0x3: {  	s0 =	sand.u32 $0x1, s3  }
0x4: {  	s17 =	sshll.u32 s0, $0xA;
	s1 =	sadd.s32 s2, s1  }
0x5: {  	s1 =	sadd.s32 s1, s17  }
0x6: {  	[smem:$0x3FC0] =	sst s1  }
0x7: {  	_ = 	snop  }
0x8: {  	(tm) =	ssettm $0x1  }
0x9: {  	s18 =	sld [smem:$0x3FFB];
	_ =	sdelay $0x3  }
0xa: {  	_ =	strace s18  }
0xb: {  	s1 =	sld [smem:$0x3FFC];
	_ =	sdelay $0x3  }
0xc: {  	_ =	strace s1  }
0xd: {  	s1 =	sld [smem:$0x3FFD];
	_ =	sdelay $0x3  }
0xe: {  	_ =	strace s1  }
0xf: {  	_ =	strace $0x8FFFFFFF  }
0x10: {  	s19 =	sld [smem:$0x3FDB];
	_ =	sdelay $0x1  }
0x11: {  	s20 =	simm.s32 $_scs_section_size  }
0x12: {  	s4 =	simm.s32 $_size__tile_overlayer_lowered;
	s5 =	simm.s32 $_tile_overlayer_lowered  }
0x13: {  	s23 =	simm.s32 $0x1BFF;
	s22 =	sshll.u32 s5, $0x1;
	s1 =	sadd.s32 s20, s19  }
0x14: {  	s6 =	simm.s32 $0x0;
	s21 =	sshll.u32 s4, $0x1;
	s4 =	sadd.s32 s22, s1  }
0x15: {  	[timem:s6], [sflag:s23] =	dma.local [hbm:s4], s21  }
0x16: {  	_ =	swait.ge [sflag:s23], s21  }
0x17: {  	s2 =	ssub.s32 $0x0, s21;
	[sflag:s23] =	ssyncset.done $0x0  }
0x18: {  	[sflag:s23] =	ssyncadd.s32 s2;
	_ =	sdelay $0x1  }
0x19: {  	s24 =	simm.s32 $0x1B8B  }
0x1a: {  	_ =	swait.ge [sflag:s24], $0x1  }
0x1b: {  	[sflag:s24] =	ssyncset.done $0x0  }
0x1c: {  	s26 =	simm.s32 $0x1B8E;
	s25 =	sld [smem:$0x3FFE];
	[sflag:s24] =	ssyncadd.s32 $0xFFFFFFFF  }
0x1d: {  	s27 =	simm.s32 $execute0_lowered;
	[smem:$0x3FD2] =	sst s26  }
0x1e: {  	s4 =	sshll.u32 s27, $0x1;
	_ =	strace $0x80000049;
	[dreg:$0x1] =	wrdreg $0xFFFFFFFF  }
0x1f: {  	s28 =	simm.s32 $_size_execute0_lowered;
	s1 =	sadd.s32 s1, s4;
	[dreg:$0x0] =	wrdreg $0x0  }
0x20: {  	s4 =	sshll.u32 s28, $0x1;
	[dreg:$0x2] =	wrdreg s1  }
0x21: {  	[dreg:$0x3] =	wrdreg s4  }
0x22: {  	[dreg:$0x4] =	wrdreg $0xC0  }
0x23: {  	_ =	task [dreg:s6], $0x5FFFF  }
0x24: {  	[dreg:$0x1] =	wrdreg $0xFFFFFFFF  }
0x25: {  	[dreg:$0x0] =	wrdreg $0x60  }
0x26: {  	[dreg:$0x2] =	wrdreg s25  }
0x27: {  	[dreg:$0x3] =	wrdreg $0x9  }
0x28: {  	_ =	task.clear_ibuf [dreg:s6], $0x4FFFF;
	_ =	strace $0x90000049  }
0x29: {  	s29 =	simm.s32 $0x9;
	_ =	strace $0x8000004B  }
0x2a: {  	_ =	swait.ge [sflag:s29], $0x1  }
0x2b: {  	[sflag:s29] =	ssyncadd.s32 $0xFFFFFFFF  }
0x2c: {  	_ =	strace $0x9000004B  }
0x2d: {  	_ =	sfence  }
0x2e: {  	s30 =	sld [smem:$0x0];
	_ =	sdelay $0x2  }
0x2f: {  	s31 =	sshll.u32 s3, $0xD;
	s3 =	sshrl.u32 s3, $0x2  }
0x30: {  	s2 =	sand.u32 $0x4000, s31;
	s1 =	sadd.s32 s3, s30  }
0x31: {  	s0 =	sor.u32 s2, s0;
	s1 =	sshll.u32 s1, $0x11  }
0x32: {  	s0 =	sor.u32 s1, s0  }
0x33: {  	s0 =	sadd.s32 $0x8F2B, s0  }
0x34: {  	[sflag:s0] =	ssyncadd.remote.s32 $0x1  }
0x35: {  	_ =	sfence.sel $0xFFFF  }
0x36: {  	[dreg:$0x0] =	wrdreg $0xFFFFFFFF;
	(pc) =	sbr.abs _section_cstart, $3  }
0x37: {  	[dreg:$0x1] =	wrdreg $0xFFFFFFFF  }
0x38: {  	_ =	task.clear_ibuf [dreg:s6], $0x2FFFF;
	_ =	strace $0x9FFFFFFF  }
0x39: {  	(tm) =	ssettm $0x7FFFFFFF  }
tec
execute0_lowered:
.L_overlay_start_1:
0x0: {  	(tag) =	ssettag $0x1  }
0x1: {  	s15 =	rddreg [dreg:$0x0]  }
0x2: {  	_ =	strace $0x8000004A;
	s1 =	stileid.u32;
	s5 =	srdreg.scid  }
0x3: {  	s8 =	simm.s32 $0x2;
	s22 =	simm.s32 $0x0;
	s17 =	simm.s32 $0x20000  }
0x4: {  	s24 =	simm.s32 $0x0;
	s23 =	simm.s32 $0x0;
	s21 =	simm.s32 $0x0  }
0x5: {  	s2 =	sadd.s32 $0x98A000, s15;
	s3 =	sadd.s32 $0x1C00, s15;
	s4 =	sand.u32 $0x3, s1  }
0x6: {  	s6 =	sshll.u32 s1, $0x1;
	s7 =	sshll.u32 s5, $0x7;
	s13 =	sadd.s32 $0x9DA000, s15  }
0x7: {  	s5 =	sand.u32 $0x18, s6;
	s6 =	sand.u32 $0x80, s7;
	s7 =	simm.s32 $0x1  }
0x8: {  	s14 =	sadd.s32 $0x9EA000, s15;
	s20 =	smov.u32 s4;
	[sflag:s7] =	ssyncpa.u1 $0x0  }
0x9: {  	s9 =	ssub.s32 $0x20, s5;
	s11 =	ssub.s32 $0x1000, s6;
	s18 =	smov.u32 s6  }
0xa: {  	s10 =	sshrl.u32 s9, $0x5;
	s9 =	sand.u32 $0x18, s9;
	s12 =	sshrl.u32 s11, $0x7  }
0xb: {  	s11 =	sshrl.u32 s11, $0x8;
	p0 =	sne.s32 s9, $0x0;
	s9 =	simm.s32 $0x1  }
.Ltmp0:
0xc: {  	s12 =	sand.u32 $0x1, s12;
	s9 =	simm.s32 @!p0 $0x0;
	(pc) =	sbr.rel .LBB1_1-.Ltmp0, $4  }
0xd: {  	s19 =	smov.u32 s5;
	s31 =	sadd.s32 s11, s12;
	s30 =	sadd.s32 s9, s10  }
0xe: {  	[sflag:s8] =	ssyncpa.u1 $0x0;
	s11 =	sadd.s32 $0x9BA000, s15;
	s8 =	smul.u32 s31, s30  }
0xf: {  	s12 =	sadd.s32 $0x9CA000, s15;
	p0 =	por $0x0, $0x0;
	s9 =	sadd.s32 $0x99A000, s15  }
0x10: {  	s10 =	sadd.s32 $0x9AA000, s15;
	s15 =	sadd.s32 $0x9FA000, s15;
	s16 =	sadd.s32 $0x1, s8  }
.LBB1_7:
0x11: {  	s0 =	sadd.s32 $0x100, s18  }
0x12: {  	s22 =	sadd.s32 $0x20, s19;
	s25 =	smov.u32 s19;
	p2 =	sgt.s32 s0, $0xFFF  }
0x13: {  	s25 =	smov.u32 @p2 s22  }
0x14: {  	s27 =	smov.u32 s20;
	s22 =	sadd.s32 $0x4, s20;
	p3 =	sgt.s32 s25, $0x1F  }
0x15: {  	s27 =	smov.u32 @p3 s22  }
0x16: {  	s0 =	smov.u32 @p2 s6;
	p2 =	sgt.s32 s27, $0x3  }
0x17: {  	p1 =	slt.u32 s21, $0x2;
	s27 =	smov.u32 @p2 s4;
	p2 =	sne.s32 s21, s16  }
.Ltmp1:
0x18: {  	s26 =	simm.s32 @!p1 $0x2;
	(pc) =	sbr.rel @!p2 .LBB1_8-.Ltmp1, $4  }
0x19: {  	s24 =	smov.u32 s19;
	s23 =	smov.u32 s20;
	_ =	swait.ge @!p1 [sflag:s26], $0x4000  }
0x1a: {  	p0 =	por !p0, !p0;
	[sflag:s26] =	ssyncset.done @!p1 $0x0;
	s25 =	smov.u32 @p3 s5  }
0x1b: {  	s22 =	smov.u32 s18;
	[sflag:s26] =	ssyncadd.s32 @!p1 $0xFFFFC000;
	s18 =	smov.u32 s0  }
0x1c: {  	s19 =	smov.u32 s25;
	s21 =	sadd.s32 $0x1, s21;
	s20 =	smov.u32 s27  }
.LBB1_1:
0x1d: {  	p1 =	sge.u32 s21, s8  }
0x1e: {  	s25 =	sxor.u32 @!p1 $0xFFFFFFFF, s21;
	s26 =	sshll.u32 @!p1 s20, $0x15;
	s27 =	sshll.u32 @!p1 s19, $0x10  }
0x1f: {  	s29 =	sshll.u32 @!p1 s18, $0x4;
	s30 =	simm.s32 @!p1 $0x10;
	s28 =	sadd.s32 @!p1 s26, s27  }
0x20: {  	s25 =	sshll.u32 @!p1 s25, $0xE;
	s29 =	sand.u32 @!p1 $0xFFF0, s29;
	s28 =	sadd.s32 @!p1 s2, s28  }
0x21: {  	s31 =	simm.s32 @!p1 $0x80;
	s25 =	sand.u32 @!p1 $0x4000, s25;
	s28 =	sadd.s32 @!p1 s29, s28  }
0x22: {  	[tilespmem:s25], [sflag:$0x1] =	stream.strided.gather @!p1 [hbm4b:s28+s30], $0x800, s31, s30, $0x38;
	[tilespmem:$0x10100] =	vst v63  }
0x23: {  	s28 =	sadd.s32 @!p1 s26, s9  }
0x24: {  	s28 =	sadd.s32 @!p1 s27, s28  }
0x25: {  	s0 =	sor.u32 @!p1 $0x800, s25;
	s28 =	sadd.s32 @!p1 s29, s28  }
0x26: {  	[tilespmem:s0], [sflag:$0x1] =	stream.strided.gather @!p1 [hbm4b:s28+s30], $0x800, s31, s30, $0x38;
	[tilespmem:$0x10100] =	vst v63  }
0x27: {  	s0 =	sadd.s32 @!p1 s26, s10  }
0x28: {  	s0 =	sadd.s32 @!p1 s27, s0  }
0x29: {  	s28 =	sor.u32 @!p1 $0x1000, s25;
	s0 =	sadd.s32 @!p1 s29, s0  }
0x2a: {  	[tilespmem:s28], [sflag:$0x1] =	stream.strided.gather @!p1 [hbm4b:s0+s30], $0x800, s31, s30, $0x38;
	[tilespmem:$0x10100] =	vst v63  }
0x2b: {  	s0 =	sadd.s32 @!p1 s26, s11  }
0x2c: {  	s0 =	sadd.s32 @!p1 s27, s0  }
0x2d: {  	s28 =	sor.u32 @!p1 $0x1800, s25;
	s0 =	sadd.s32 @!p1 s29, s0  }
0x2e: {  	[tilespmem:s28], [sflag:$0x1] =	stream.strided.gather @!p1 [hbm4b:s0+s30], $0x800, s31, s30, $0x38;
	[tilespmem:$0x10100] =	vst v63  }
0x2f: {  	s0 =	sadd.s32 @!p1 s26, s12  }
0x30: {  	s0 =	sadd.s32 @!p1 s27, s0  }
0x31: {  	s28 =	sor.u32 @!p1 $0x2000, s25;
	s0 =	sadd.s32 @!p1 s29, s0  }
0x32: {  	[tilespmem:s28], [sflag:$0x1] =	stream.strided.gather @!p1 [hbm4b:s0+s30], $0x800, s31, s30, $0x38;
	[tilespmem:$0x10100] =	vst v63  }
0x33: {  	s0 =	sadd.s32 @!p1 s26, s13  }
0x34: {  	s0 =	sadd.s32 @!p1 s27, s0  }
0x35: {  	s28 =	sor.u32 @!p1 $0x2800, s25;
	s0 =	sadd.s32 @!p1 s29, s0  }
0x36: {  	[tilespmem:s28], [sflag:$0x1] =	stream.strided.gather @!p1 [hbm4b:s0+s30], $0x800, s31, s30, $0x38;
	[tilespmem:$0x10100] =	vst v63  }
0x37: {  	s0 =	sadd.s32 @!p1 s26, s14  }
0x38: {  	s0 =	sadd.s32 @!p1 s27, s0  }
0x39: {  	s28 =	sor.u32 @!p1 $0x3000, s25;
	s0 =	sadd.s32 @!p1 s29, s0  }
0x3a: {  	[tilespmem:s28], [sflag:$0x1] =	stream.strided.gather @!p1 [hbm4b:s0+s30], $0x800, s31, s30, $0x38;
	[tilespmem:$0x10100] =	vst v63  }
0x3b: {  	s0 =	sadd.s32 @!p1 s26, s15  }
0x3c: {  	s0 =	sadd.s32 @!p1 s27, s0  }
0x3d: {  	s25 =	sor.u32 @!p1 $0x3800, s25;
	s0 =	sadd.s32 @!p1 s29, s0  }
0x3e: {  	[tilespmem:s25], [sflag:$0x1] =	stream.strided.gather @!p1 [hbm4b:s0+s30], $0x800, s31, s30, $0x38;
	[tilespmem:$0x10100] =	vst v63  }
0x3f: {  	s31 =	sadd.s32 $0xFFFFFFFF, s21  }
0x40: {  	p1 =	sge.u32 s31, s8  }
.Ltmp2:
0x41: {  	_ = 	snop;
	(pc) =	sbr.rel @p1 .LBB1_7-.Ltmp2, $1  }
0x42: {  	_ =	sdelay $0x3  }
0x43: {  	s0 =	simm.s32 $0x1;
	s26 =	sand.u32 $0x1, s21  }
0x44: {  	_ =	swait.ge [sflag:s7], $0x4000;
	s0 =	simm.s32 @!p0 $0x0;
	s28 =	smul.u32 $0x10200, s26  }
0x45: {  	[sflag:s7] =	ssyncset.done $0x0;
	s25 =	smul.u32 $0x10200, s0  }
0x46: {  	s0 =	sshll.u32 s0, $0xE;
	[sflag:s7] =	ssyncadd.s32 $0xFFFFC000  }
0x47: {  	s27 =	sor.u32 $0x40, s0;
	s31 =	sshrl.u32 s28, $0x2;
	s25 =	sshrl.u32 s25, $0x2  }
0x48: {  	s28 =	simm.s32 $0x0;
	s26 =	sor.u32 $0x8007, s25;
	s25 =	sor.u32 $0x8000, s31  }
.LBB1_3:
0x49: {  	v3 =	vld [tilespmem:s27+$0x30]  }
0x4a: {  	v4 =	vld [tilespmem:s27+$0xFFFFFFD0]  }
0x4b: {  	v5 =	vld [tilespmem:s27+$0xFFFFFFE0]  }
0x4c: {  	v1 =	vld [tilespmem:s27+$0xFFFFFFF0]  }
0x4d: {  	v0 =	vld [tilespmem:s27+$0x0]  }
0x4e: {  	v2 =	vld [tilespmem:s27+$0x10];
	[tilespmem:s26+$0x0 ss:$0x408] =	vst.msk $0xffff, v3  }
0x4f: {  	[tilespmem:s26+$0xFFFFFFFA ss:$0x408] =	vst.msk $0xffff, v4;
	v4 =	vld [tilespmem:s27+$0x20]  }
0x50: {  	s30 =	simm.s32 $0x0;
	s31 =	sadd.s32 $0x80, s27;
	s29 =	smov.u32 s26;
	v3 =	vld [tilespmem:s27+$0xFFFFFFC0];
	[tilespmem:s26+$0xFFFFFFFB ss:$0x408] =	vst.msk $0xffff, v5  }
.LBB1_4:
0x51: {  	v5 =	vld [tilespmem:s31+$0x30];
	s30 =	sadd.s32 $0x8, s30;
	[tilespmem:s29+$0xFFFFFFFC ss:$0x408] =	vst.msk $0xffff, v1  }
0x52: {  	v6 =	vld [tilespmem:s31+$0xFFFFFFD0];
	p1 =	slt.u32 s30, $0x78;
	[tilespmem:s29+$0xFFFFFFFD ss:$0x408] =	vst.msk $0xffff, v0  }
0x53: {  	v7 =	vld [tilespmem:s31+$0xFFFFFFE0];
	[tilespmem:s29+$0xFFFFFFFE ss:$0x408] =	vst.msk $0xffff, v2  }
.Ltmp3:
0x54: {  	v1 =	vld [tilespmem:s31+$0xFFFFFFF0];
	[tilespmem:s29+$0xFFFFFFFF ss:$0x408] =	vst.msk $0xffff, v4;
	(pc) =	sbr.rel @p1 .LBB1_4-.Ltmp3, $4  }
0x55: {  	v0 =	vld [tilespmem:s31+$0x0];
	[tilespmem:s29+$0xFFFFFFF9 ss:$0x408] =	vst.msk $0xffff, v3;
	s29 =	sadd.s32 $0x8, s29  }
0x56: {  	v2 =	vld [tilespmem:s31+$0x10];
	[tilespmem:s29+$0x0 ss:$0x408] =	vst.msk $0xffff, v5  }
0x57: {  	[tilespmem:s29+$0xFFFFFFFA ss:$0x408] =	vst.msk $0xffff, v6;
	v4 =	vld [tilespmem:s31+$0x20]  }
0x58: {  	v3 =	vld [tilespmem:s31+$0xFFFFFFC0];
	[tilespmem:s29+$0xFFFFFFFB ss:$0x408] =	vst.msk $0xffff, v7;
	s31 =	sadd.s32 $0x80, s31  }
0x59: {  	s28 =	sadd.s32 $0x1, s28  }
0x5a: {  	p1 =	sne.s32 s28, $0x8  }
.Ltmp4:
0x5b: {  	[tilespmem:s29+$0xFFFFFFFC ss:$0x408] =	vst.msk $0xffff, v1;
	(pc) =	sbr.rel @p1 .LBB1_3-.Ltmp4, $4  }
0x5c: {  	[tilespmem:s29+$0xFFFFFFFD ss:$0x408] =	vst.msk $0xffff, v0  }
0x5d: {  	[tilespmem:s29+$0xFFFFFFFE ss:$0x408] =	vst.msk $0xffff, v2  }
0x5e: {  	[tilespmem:s29+$0xFFFFFFFF ss:$0x408] =	vst.msk $0xffff, v4  }
0x5f: {  	s26 =	sadd.s32 $0x81, s26;
	s27 =	sadd.s32 $0x800, s27;
	[tilespmem:s29+$0xFFFFFFF9 ss:$0x408] =	vst.msk $0xffff, v3  }
0x60: {  	s0 =	sand.u32 $0x78, s22  }
0x61: {  	s26 =	sshll.u32 s24, $0xC;
	s29 =	sshll.u32 s24, $0x7;
	s27 =	sshll.u32 s22, $0x3  }
0x62: {  	s23 =	sshll.u32 s23, $0x12;
	s31 =	sand.u32 $0x7, s22;
	s26 =	sand.u32 $0x18000, s26  }
0x63: {  	s24 =	sand.u32 $0x380, s29;
	s26 =	sadd.s32 s26, s27;
	s27 =	sand.u32 $0xC00, s27  }
.Ltmp5:
0x64: {  	s0 =	sor.u32 s24, s0;
	s30 =	sshrl.u32 s26, $0x3;
	(pc) =	sbr.rel .LBB1_7-.Ltmp5, $4  }
0x65: {  	s23 =	sadd.s32 s3, s23;
	s0 =	sor.u32 s27, s0;
	s24 =	sand.u32 $0x3E00, s30  }
0x66: {  	s22 =	sshll.u32 s31, $0x12;
	s0 =	sshrl.u32 s0, $0x3;
	s23 =	sadd.s32 s24, s23  }
0x67: {  	s22 =	sor.u32 $0x400, s22;
	s0 =	sadd.s32 s0, s23  }
0x68: {  	[hbm4b:s0+s22] =	stream.strided.scatter [tilespmem:s25], [sflag:$0x2], $0x4000, s17, s22, $0x20;
	[tilespmem:$0x10100] =	vst v63  }
.LBB1_8:
0x69: {  	_ =	sfence.sel $0x180000  }
0x6a: {  	s0 =	simm.s32 $0x1;
	[bflag:$0x0] =	sbarrier.arrive $0xFFFF  }
0x6b: {  	s31 =	simm.s32 $0x2;
	[sflag:s0] =	ssyncpa.u1 $0x1  }
0x6c: {  	[sflag:s31] =	ssyncpa.u1 $0x1  }
0x6d: {  	_ =	strace $0x9000004A  }
0x6e: {  	[bflag:$0x2] =	sbarrier.arrive $0xFFFF  }
0x6f: {  	p0 =	sne.s32 s1, $0x0;
	s0 =	rddreg [dreg:$0x1]  }
0x70: {  	s0 =	sadd.s32 @!p0 $0x100000, s0  }
0x71: {  	[sflag:s0] =	ssyncadd.tile.s32 @!p0 $0x1;
	_ =	shalt  }
.Lfunc_end1:
_tile_overlayer_lowered:
.L_overlay_start_2:
0x72: {  	(tag) =	ssettag $0x2  }
0x73: {  	s0 =	rddreg [dreg:$0x0];
	s2 =	stileid.u32  }
0x74: {  	s1 =	rddreg [dreg:$0x1];
	p0 =	sne.s32 s2, $0x0  }
0x75: {  	s3 =	rddreg [dreg:$0x2];
	[bflag:$0x3] =	sbarrier.arrive $0xFFFF;
	s2 =	simm.s32 @!p0 $0x1C01  }
0x76: {  	[timem:s3], [sflag:s2] =	dma.local @!p0 [hbm:s0], s1  }
0x77: {  	s0 =	simm.s32 @!p0 $0x1  }
0x78: {  	_ =	swait.ge @!p0 [sflag:s0], s1  }
0x79: {  	s1 =	ssub.s32 @!p0 $0x0, s1;
	[sflag:s0] =	ssyncset.done @!p0 $0x0  }
0x7a: {  	[sflag:s0] =	ssyncadd.s32 @!p0 s1  }
0x7b: {  	[bflag:$0x3] =	sbarrier.arrive $0xFFFF  }
0x7c: {  	_ =	shalt  }

</sc_bundles>
